<compile_context>
chip_gen: v7x
topology: tpu7x:2x2x1
jax: 0.10.2.dev20260603
libtpu: 0.0.44.dev20260713+nightly
codegen_flags: <defaults>
</compile_context>

<pallas_src>
import functools

import numpy as np
import jax
import jax.numpy as jnp
from jax import lax
from jax.experimental import pallas as pl
from jax.experimental.pallas import tpu as pltpu
from jax.experimental.pallas import tpu_sc as plsc

_MT_STATE = np.random.RandomState(0).get_state()
_MT_KEY0 = np.asarray(_MT_STATE[1], dtype=np.uint32)
_MT_POS0 = int(_MT_STATE[2])

_TEMP = 0.2
_K = 8
_NEG_INF = -1e30
_C0 = float(np.log1p(np.exp(-1.0)))



def _tw(mt):
    u = jnp.uint32(0x80000000)
    lo = jnp.uint32(0x7FFFFFFF)
    a = jnp.uint32(0x9908B0DF)

    def f(yv):
        return (yv >> 1) ^ jnp.where((yv & jnp.uint32(1)) != 0, a, jnp.uint32(0))

    y = (mt[:623] & u) | (mt[1:] & lo)
    n0 = mt[397:] ^ f(y[:227])
    n1 = n0 ^ f(y[227:454])
    n2 = n1[:169] ^ f(y[454:623])
    y_last = (mt[623] & u) | (n0[0] & lo)
    n_last = n1[169] ^ f(y_last)
    return jnp.concatenate([n0, n1, n2, n_last[None]])


def _nx32(state):
    mt, pos = state
    mt, pos = lax.cond(pos >= 624, lambda s: (_tw(s[0]), jnp.int32(0)), lambda s: s, (mt, pos))
    v = mt[pos]
    v = v ^ (v >> 11)
    v = v ^ ((v << 7) & jnp.uint32(0x9D2C5680))
    v = v ^ ((v << 15) & jnp.uint32(0xEFC60000))
    v = v ^ (v >> 18)
    return (mt, pos + jnp.int32(1)), v


def _rint(state, n):
    rng = (n - 1).astype(jnp.uint32)
    m = rng
    for s in (1, 2, 4, 8, 16):
        m = m | (m >> s)

    def draw(st):
        st, v = _nx32(st)
        return st, v & m

    def sample(st):
        st, v = draw(st)
        st, v = lax.while_loop(lambda c: c[1] > rng, lambda c: draw(c[0]), (st, v))
        return st, v

    return lax.cond(rng == jnp.uint32(0), lambda st: (st, jnp.uint32(0)), sample, state)


def _draw_targets(counts):
    st = (jnp.asarray(_MT_KEY0), jnp.int32(_MT_POS0))
    tr = [[None] * _K for _ in range(8)]
    vr = [[None] * _K for _ in range(4)]
    for p in range(4):
        for c in range(_K):
            n1 = counts[p, c]
            n2 = counts[p + 4, c]
            valid = (n1 > 0) & (n2 > 0)

            def do(s, n1=n1, n2=n2):
                s, j1 = _rint(s, n1)
                s, j2 = _rint(s, n2)
                return s, j1, j2

            def skip(s):
                return s, jnp.uint32(0), jnp.uint32(0)

            st, j1, j2 = lax.cond(valid, do, skip, st)
            tr[p][c] = j1.astype(jnp.int32) + 1
            tr[p + 4][c] = j2.astype(jnp.int32) + 1
            vr[p][c] = valid.astype(jnp.float32)
    targets = jnp.stack([tr[i][c] for i in range(8) for c in range(_K)])
    valid = jnp.stack([jnp.stack(row) for row in vr])
    return targets, valid



_T1 = 6272


def _k1_body(e_ref, m_ref, sums_ref, cnt_ref):
    t = pl.program_id(1)
    e = e_ref[0]
    m = m_ref[0].astype(jnp.float32)
    s = lax.dot_general(m, e, (((1,), (1,)), ((), ())),
                        preferred_element_type=jnp.float32)
    c = jnp.sum(m, axis=1, keepdims=True)
    cb = jnp.broadcast_to(c, (8, 128))

    @pl.when(t == 0)
    def _():
        sums_ref[0] = s
        cnt_ref[0] = cb

    @pl.when(t != 0)
    def _():
        sums_ref[0] += s
        cnt_ref[0] += cb


def _k1(embr, mr):
    nt = embr.shape[2] // _T1
    return pl.pallas_call(
        _k1_body,
        grid=(8, nt),
        in_specs=[
            pl.BlockSpec((1, 96, _T1), lambda b, t: (b, 0, t)),
            pl.BlockSpec((1, 8, _T1), lambda b, t: (b, 0, t)),
        ],
        out_specs=[
            pl.BlockSpec((1, 8, 96), lambda b, t: (b, 0, 0)),
            pl.BlockSpec((1, 8, 128), lambda b, t: (b, 0, 0)),
        ],
        out_shape=[
            jax.ShapeDtypeStruct((8, 8, 96), jnp.float32),
            jax.ShapeDtypeStruct((8, 8, 128), jnp.float32),
        ],
    )(embr, mr)



def _k2_body(tr_ref, m_ref, k_ref):
    i = pl.program_id(0)
    x = m_ref[0].astype(jnp.float32)
    rows = lax.broadcasted_iota(jnp.int32, (128, 128), 0)
    cols = lax.broadcasted_iota(jnp.int32, (128, 128), 1)
    upper = (rows <= cols).astype(jnp.float32)
    inc = lax.dot_general(x, upper, (((1,), (0,)), ((), ())),
                          preferred_element_type=jnp.float32)
    rowtot = inc[:, 127:128]
    ii = lax.broadcasted_iota(jnp.int32, (392, 392), 0)
    jj = lax.broadcasted_iota(jnp.int32, (392, 392), 1)
    strict = (jj < ii).astype(jnp.float32)
    pre = lax.dot_general(strict, rowtot, (((1,), (0,)), ((), ())),
                          preferred_element_type=jnp.float32)
    cs = pre + inc
    j = (tr_ref[i] - 1).astype(jnp.float32)
    k = jnp.sum(jnp.where(cs <= j, 1.0, 0.0))
    k = jnp.minimum(k, 50175.0).astype(jnp.int32)
    k_ref[0] = jnp.full((1, 128), k, dtype=jnp.int32)


def _k2(targets, m4):
    return pl.pallas_call(
        _k2_body,
        grid_spec=pltpu.PrefetchScalarGridSpec(
            num_scalar_prefetch=1,
            grid=(64,),
            in_specs=[pl.BlockSpec((1, 392, 128), lambda i, tr: (i, 0, 0))],
            out_specs=pl.BlockSpec((1, 1, 128), lambda i, tr: (i, 0, 0)),
        ),
        out_shape=jax.ShapeDtypeStruct((64, 1, 128), jnp.int32),
    )(targets, m4)



_SC_ROWS = 96


def _k3_sc(table, idx):
    mesh = plsc.VectorSubcoreMesh(core_axis_name="c", subcore_axis_name="s")
    info = plsc.get_sparse_core_info()
    nc, ns = info.num_cores, info.num_subcores
    nw = nc * ns
    sel_per_w = 64 // nw

    @functools.partial(
        pl.kernel,
        mesh=mesh,
        out_type=jax.ShapeDtypeStruct((6144, 128), jnp.float32),
        scratch_types=[
            pltpu.VMEM((_SC_ROWS,), jnp.int32),
            pltpu.VMEM((_SC_ROWS, 128), jnp.float32),
            pltpu.SemaphoreType.DMA,
        ],
    )
    def k(table_hbm, idx_hbm, out_hbm, idx_v, rows_v, sem):
        wid = lax.axis_index("s") * nc + lax.axis_index("c")
        for b in range(sel_per_w):
            base = (wid * sel_per_w + b) * _SC_ROWS
            pltpu.sync_copy(idx_hbm.at[pl.ds(base, _SC_ROWS)], idx_v)
            pltpu.async_copy(table_hbm.at[idx_v], rows_v, sem).wait()
            pltpu.sync_copy(rows_v, out_hbm.at[pl.ds(base, _SC_ROWS)])

    return k(table, idx)



def _k4_body(sums_ref, cnt_ref, zf_ref, col_ref, val_ref, out_ref):
    eye_r = lax.broadcasted_iota(jnp.int32, (8, 8), 0)
    eye_c = lax.broadcasted_iota(jnp.int32, (8, 8), 1)
    eye = eye_r == eye_c

    sims = []
    nz = []
    total = jnp.float32(0.0)
    count = jnp.float32(0.0)
    for img in range(8):
        cnt_row = cnt_ref[img:img + 1, :]
        cnt_col = jnp.transpose(cnt_row)
        mean = sums_ref[img] / jnp.maximum(cnt_col, 1.0)
        colc = jnp.transpose(col_ref[img:img + 1, :])
        lane = lax.broadcasted_iota(jnp.int32, (8, 128), 1)
        lmask = jnp.where(lane == colc, 1.0, 0.0)
        z = jnp.sum(zf_ref[img] * lmask[:, None, :], axis=2)
        nm = jnp.sqrt(jnp.sum(mean * mean, axis=1, keepdims=True))
        nzv = jnp.sqrt(jnp.sum(z * z, axis=1, keepdims=True))
        d = lax.dot_general(z, mean, (((1,), (1,)), ((), ())),
                            preferred_element_type=jnp.float32)
        den = jnp.maximum(nzv * jnp.transpose(nm), 1e-8)
        sims.append(d / den / _TEMP)
        nz.append(cnt_row > 0.0)

    for p in range(4):
        s1, s2 = sims[p], sims[p + 4]
        nz1, nz2 = nz[p], nz[p + 4]

        def _loss(s, nzrow):
            pos = jnp.sum(jnp.where(eye, s, 0.0), axis=1, keepdims=True)
            vals = jnp.where(eye | nzrow, s, _NEG_INF)
            mx = jnp.max(vals, axis=1, keepdims=True)
            den_main = mx + jnp.log(jnp.sum(jnp.exp(vals - mx), axis=1, keepdims=True))
            has = jnp.sum(jnp.where((~eye) & nzrow, 1.0, 0.0), axis=1, keepdims=True) > 0.0
            den = jnp.where(has, den_main, pos + _C0)
            return den - pos

        l1 = _loss(s1, nz1)
        l2 = _loss(s2, nz2)
        v = val_ref[p:p + 1, :]
        contrib = jnp.transpose(v) * 0.5 * (l1 + l2)
        total = total + jnp.sum(contrib)
        count = count + jnp.sum(v)

    res = jnp.where(count > 0.0, total / jnp.maximum(count, 1.0), 0.0)
    out_ref[...] = jnp.full((8, 128), res, dtype=jnp.float32)


def _k4(sums, counts, zfull, cols, valid):
    return pl.pallas_call(
        _k4_body,
        out_shape=jax.ShapeDtypeStruct((8, 128), jnp.float32),
    )(sums, counts, zfull, cols, valid)



def kernel(embeddings, masks_onehot):
    B, E, H, W = embeddings.shape
    HW = H * W
    embr = embeddings.reshape(B, E, HW)
    mr = masks_onehot.reshape(B, _K, HW)
    m4 = masks_onehot.reshape(B * _K, HW // 128, 128)

    sums, cnts = _k1(embr, mr)
    counts_f = cnts[:, :, 0]
    counts_i = counts_f.astype(jnp.int32)

    targets, valid = _draw_targets(counts_i)

    kk = _k2(targets, m4)
    kvec = kk[:, 0, 0]

    imgs = jnp.arange(64, dtype=jnp.int32) // _K
    chans = jnp.arange(E, dtype=jnp.int32)
    rowids = (imgs[:, None] * E + chans[None, :]) * (HW // 128) \
        + (kvec // 128)[:, None]
    idx = rowids.reshape(64 * E).astype(jnp.int32)
    table = embeddings.reshape(B * E * (HW // 128), 128)
    zfull = _k3_sc(table, idx).reshape(8, _K, E, 128)
    cols = (kvec % 128).reshape(8, _K)

    out = _k4(sums, counts_f, zfull, cols, valid)
    return out[0, 0]

# --- scband reference (transcript-rebuilt; emitter-appended) ---
"""Pipeline reference for scband-local-contrastive-loss-61890478735388 (READ-ONLY COPY).

The authoritative reference and input builder live on the scoring server;
editing this copy changes nothing except your own understanding.
"""

import jax, jax.numpy as jnp
import numpy as np

TEMPERATURE = 0.2
NUM_POS_SAMPLES = 1
NUM_CLASSES = 8

_MT_STATE0 = np.random.RandomState(0).get_state()
_MT_KEYS0 = np.asarray(_MT_STATE0[1], dtype=np.uint32)
_MT_POS0 = int(_MT_STATE0[2])


def setup_inputs(seed: int = 0):
    key = jax.random.key(seed)
    k1, k2 = jax.random.split(key)
    embeddings = jax.random.normal(k1, (8, 96, 224, 224), dtype=jnp.float32)
    masks_onehot = jax.random.randint(k2, (8, 8, 224, 224), 0, 2).astype(jnp.int32)
    return {"embeddings": embeddings, "masks_onehot": masks_onehot}


def _class_mean(emb, mask_b):
    # emb: [C,H,W], mask_b: bool [H,W]
    m = jnp.asarray(mask_b, dtype=jnp.float32)
    cnt = jnp.maximum(m.sum(), 1.0)
    return (emb * m[None, :, :]).sum(axis=(1, 2)) / cnt


def _sim(a, b):
    na = jnp.linalg.norm(a)
    nb = jnp.linalg.norm(b)
    return (jnp.dot(a, b) / jnp.maximum(na * nb, 1e-8)) / TEMPERATURE


def _mt_twist(mt):
    u = jnp.uint32(0x80000000)
    l = jnp.uint32(0x7FFFFFFF)
    a = jnp.uint32(0x9908B0DF)

    def f(yv):
        return (yv >> 1) ^ jnp.where((yv & jnp.uint32(1)) != 0, a, jnp.uint32(0))

    y = (mt[:623] & u) | (mt[1:] & l)
    n0 = mt[397:] ^ f(y[:227])
    n1 = n0 ^ f(y[227:454])
    n2 = n1[:169] ^ f(y[454:623])
    y_last = (mt[623] & u) | (n0[0] & l)
    n_last = n1[169] ^ f(y_last)
    return jnp.concatenate([n0, n1, n2, n_last[None]])


def _mt_next32(state):
    mt, pos = state
    mt, pos = jax.lax.cond(
        pos >= 624,
        lambda s: (_mt_twist(s[0]), jnp.int32(0)),
        lambda s: s,
        (mt, pos),
    )
    v = mt[pos]
    v = v ^ (v >> 11)
    v = v ^ ((v << 7) & jnp.uint32(0x9D2C5680))
    v = v ^ ((v << 15) & jnp.uint32(0xEFC60000))
    v = v ^ (v >> 18)
    return (mt, pos + jnp.int32(1)), v


def _mt_randint(state, n):
    rng = (n - 1).astype(jnp.uint32)
    m = rng
    for s in (1, 2, 4, 8, 16):
        m = m | (m >> s)

    def draw(st):
        st, v = _mt_next32(st)
        return st, v & m

    def sample(st):
        st, v = draw(st)
        st, v = jax.lax.while_loop(lambda c: c[1] > rng, lambda c: draw(c[0]), (st, v))
        return st, v

    return jax.lax.cond(rng == jnp.uint32(0), lambda st: (st, jnp.uint32(0)), sample, state)


def reference(embeddings, masks_onehot):
    B, E, H, W = embeddings.shape
    K = NUM_CLASSES
    num_pairs = B // 2
    masks = masks_onehot > 0
    mt_state = (jnp.asarray(_MT_KEYS0), jnp.int32(_MT_POS0))
    total_loss = jnp.asarray(0.0, dtype=jnp.float32)
    total_count = jnp.asarray(0, dtype=jnp.int32)
    neg_inf = jnp.asarray(-jnp.inf, dtype=jnp.float32)
    for p in range(num_pairs):
        i1, i2 = p, p + num_pairs
        emb1, emb2 = embeddings[i1], embeddings[i2]
        m1, m2 = masks[i1], masks[i2]
        emb1_flat = emb1.reshape(E, H * W)
        emb2_flat = emb2.reshape(E, H * W)
        for cls in range(K):
            mask1 = m1[cls].reshape(-1)
            mask2 = m2[cls].reshape(-1)
            n1 = mask1.sum().astype(jnp.int32)
            n2 = mask2.sum().astype(jnp.int32)
            valid = (n1 > 0) & (n2 > 0)
            neg_classes = [c for c in range(K) if c != cls]

            def compute(op, emb1=emb1, emb2=emb2, m1=m1, m2=m2, cls=cls,
                        mask1=mask1, mask2=mask2, n1=n1, n2=n2,
                        emb1_flat=emb1_flat, emb2_flat=emb2_flat,
                        neg_classes=neg_classes):
                st, tl, tc = op
                mean1 = _class_mean(emb1, m1[cls])
                mean2 = _class_mean(emb2, m2[cls])
                cs1 = jnp.cumsum(mask1.astype(jnp.int32))
                cs2 = jnp.cumsum(mask2.astype(jnp.int32))
                for _ in range(NUM_POS_SAMPLES):
                    st, j1 = _mt_randint(st, n1)
                    st, j2 = _mt_randint(st, n2)
                    k1 = jnp.searchsorted(cs1, j1.astype(jnp.int32) + 1)
                    k2 = jnp.searchsorted(cs2, j2.astype(jnp.int32) + 1)
                    z1 = emb1_flat[:, k1]
                    z2 = emb2_flat[:, k2]
                    s_pos1 = _sim(z1, mean1)
                    s_pos2 = _sim(z2, mean2)
                    negs1, negs2 = [], []
                    has1 = jnp.asarray(False)
                    has2 = jnp.asarray(False)
                    for nc in neg_classes:
                        a1 = jnp.any(m1[nc])
                        a2 = jnp.any(m2[nc])
                        negs1.append(jnp.where(a1, _sim(z1, _class_mean(emb1, m1[nc])), neg_inf))
                        negs2.append(jnp.where(a2, _sim(z2, _class_mean(emb2, m2[nc])), neg_inf))
                        has1 = has1 | a1
                        has2 = has2 | a2
                    den1_main = jax.scipy.special.logsumexp(jnp.stack([s_pos1] + negs1))
                    den1_fb = jax.scipy.special.logsumexp(jnp.stack([s_pos1, s_pos1 - 1.0]))
                    den1 = jnp.where(has1, den1_main, den1_fb)
                    loss1 = -(s_pos1 - den1)
                    den2_main = jax.scipy.special.logsumexp(jnp.stack([s_pos2] + negs2))
                    den2_fb = jax.scipy.special.logsumexp(jnp.stack([s_pos2, s_pos2 - 1.0]))
                    den2 = jnp.where(has2, den2_main, den2_fb)
                    loss2 = -(s_pos2 - den2)
                    tl = tl + 0.5 * (loss1 + loss2)
                    tc = tc + jnp.int32(1)
                return st, tl, tc

            def skip(op):
                return op

            mt_state, total_loss, total_count = jax.lax.cond(
                valid, compute, skip, (mt_state, total_loss, total_count)
            )
    return jnp.where(
        total_count > 0,
        total_loss / jnp.maximum(total_count, 1),
        jnp.asarray(0.0, dtype=jnp.float32),
    )

if __name__ == "__main__":
    import jax
    _d = setup_inputs()
    print(jax.jit(kernel)(*tuple(_d.values())))

</pallas_src>

<mosaic_0001>
#map = affine_map<(d0, d1) -> (0, 0)>
#map1 = affine_map<(d0, d1) -> (0)>
module attributes {stable_mosaic.version = 14 : i64} {
  func.func @k(%arg0: i32, %arg1: i32, %arg2: memref<301056x128xf32, #tpu.memory_space<hbm>>, %arg3: memref<6144xi32, #tpu.memory_space<hbm>>, %arg4: memref<6144x128xf32, #tpu.memory_space<hbm>>, %arg5: memref<96xi32, #tpu.memory_space<vmem>>, %arg6: memref<96x128xf32, #tpu.memory_space<vmem>>, %arg7: memref<!tpu.dma_semaphore, #tpu.memory_space<semaphore_mem>>) attributes {dimension_semantics = [#tpu.dimension_semantics<core_parallel>, #tpu.dimension_semantics<subcore_parallel>], iteration_bounds = array<i64: 2, 16>, scalar_prefetch = 0 : i64, scratch_operands = 3 : i64, tpu.core_type = #tpu.core_type<sc_vector_subcore>, window_params = [{transform_indices = #map}, {transform_indices = #map1}, {transform_indices = #map}]} {
    %mul3A = arith.constant 2 : i32
    %mul3A_0 = arith.muli %arg1, %mul3A : i32
    %add3A = arith.addi %mul3A_0, %arg0 : i32
    %mul3A_1 = arith.constant 2 : i32
    %mul3A_2 = arith.muli %add3A, %mul3A_1 : i32
    %add3A_3 = arith.constant 0 : i32
    %add3A_4 = arith.addi %mul3A_2, %add3A_3 : i32
    %mul3A_5 = arith.constant 96 : i32
    %mul3A_6 = arith.muli %add3A_4, %mul3A_5 : i32
    "tpu.region"() ({
      %run_scoped3A = tpu.sem_alloc : memref<!tpu.dma_semaphore, #tpu.memory_space<semaphore_mem>>
      %dma_start3A_23 = tpu.memref_slice %arg3[%mul3A_6] : memref<6144xi32, #tpu.memory_space<hbm>> -> memref<96xi32, #tpu.memory_space<hbm>>
      %dma_start3A_24 = tpu.memref_slice %arg3[%mul3A_6] : memref<6144xi32, #tpu.memory_space<hbm>> -> memref<96xi32, #tpu.memory_space<hbm>>
      tpu.enqueue_dma source(%dma_start3A_24 : memref<96xi32, #tpu.memory_space<hbm>>) target(%arg5 : memref<96xi32, #tpu.memory_space<vmem>>) target_semaphore(%run_scoped3A : memref<!tpu.dma_semaphore, #tpu.memory_space<semaphore_mem>>)
      %dma_wait3A_25 = tpu.memref_slice %arg3[%mul3A_6] : memref<6144xi32, #tpu.memory_space<hbm>> -> memref<96xi32, #tpu.memory_space<hbm>>
      %dma_wait3A_26 = tpu.memref_slice %arg3[%mul3A_6] : memref<6144xi32, #tpu.memory_space<hbm>> -> memref<96xi32, #tpu.memory_space<hbm>>
      tpu.wait_dma2 semaphore(%run_scoped3A : memref<!tpu.dma_semaphore, #tpu.memory_space<semaphore_mem>>) src(%dma_wait3A_26 : memref<96xi32, #tpu.memory_space<hbm>>) dst(%arg5 : memref<96xi32, #tpu.memory_space<vmem>>)
      tpu.yield
    }) : () -> ()
    %dma_start3A = arith.constant 0 : i32
    %dma_start3A_7 = arith.constant 0 : i32
    %dma_start3A_8 = tpu.memref_slice %arg2[%dma_start3A, %dma_start3A_7] : memref<301056x128xf32, #tpu.memory_space<hbm>> -> memref<301056x128xf32, #tpu.memory_space<hbm>>
    tpu.enqueue_indirect_dma source(%dma_start3A_8 : memref<301056x128xf32, #tpu.memory_space<hbm>>) target(%arg6 : memref<96x128xf32, #tpu.memory_space<vmem>>) offsets(%arg5 : memref<96xi32, #tpu.memory_space<vmem>>) semaphore(%arg7 : memref<!tpu.dma_semaphore, #tpu.memory_space<semaphore_mem>>)
    %dma_wait3A = arith.constant 0 : i32
    %dma_wait3A_9 = arith.constant 0 : i32
    %dma_wait3A_10 = tpu.memref_slice %arg2[%dma_wait3A, %dma_wait3A_9] : memref<301056x128xf32, #tpu.memory_space<hbm>> -> memref<301056x128xf32, #tpu.memory_space<hbm>>
    tpu.wait_indirect_dma semaphore(%arg7 : memref<!tpu.dma_semaphore, #tpu.memory_space<semaphore_mem>>) src(%dma_wait3A_10 : memref<301056x128xf32, #tpu.memory_space<hbm>>) dst(%arg6 : memref<96x128xf32, #tpu.memory_space<vmem>>)
    "tpu.region"() ({
      %run_scoped3A = tpu.sem_alloc : memref<!tpu.dma_semaphore, #tpu.memory_space<semaphore_mem>>
      %dma_start3A_23 = arith.constant 0 : i32
      %dma_start3A_24 = tpu.memref_slice %arg4[%mul3A_6, %dma_start3A_23] : memref<6144x128xf32, #tpu.memory_space<hbm>> -> memref<96x128xf32, #tpu.memory_space<hbm>>
      %dma_start3A_25 = arith.constant 0 : i32
      %dma_start3A_26 = tpu.memref_slice %arg4[%mul3A_6, %dma_start3A_25] : memref<6144x128xf32, #tpu.memory_space<hbm>> -> memref<96x128xf32, #tpu.memory_space<hbm>>
      tpu.enqueue_dma source(%arg6 : memref<96x128xf32, #tpu.memory_space<vmem>>) target(%dma_start3A_26 : memref<96x128xf32, #tpu.memory_space<hbm>>) target_semaphore(%run_scoped3A : memref<!tpu.dma_semaphore, #tpu.memory_space<semaphore_mem>>)
      %dma_wait3A_27 = arith.constant 0 : i32
      %dma_wait3A_28 = tpu.memref_slice %arg4[%mul3A_6, %dma_wait3A_27] : memref<6144x128xf32, #tpu.memory_space<hbm>> -> memref<96x128xf32, #tpu.memory_space<hbm>>
      %dma_wait3A_29 = arith.constant 0 : i32
      %dma_wait3A_30 = tpu.memref_slice %arg4[%mul3A_6, %dma_wait3A_29] : memref<6144x128xf32, #tpu.memory_space<hbm>> -> memref<96x128xf32, #tpu.memory_space<hbm>>
      tpu.wait_dma2 semaphore(%run_scoped3A : memref<!tpu.dma_semaphore, #tpu.memory_space<semaphore_mem>>) src(%arg6 : memref<96x128xf32, #tpu.memory_space<vmem>>) dst(%dma_wait3A_30 : memref<96x128xf32, #tpu.memory_space<hbm>>)
      tpu.yield
    }) : () -> ()
    %mul3A_11 = arith.constant 2 : i32
    %mul3A_12 = arith.muli %add3A, %mul3A_11 : i32
    %add3A_13 = arith.constant 1 : i32
    %add3A_14 = arith.addi %mul3A_12, %add3A_13 : i32
    %mul3A_15 = arith.constant 96 : i32
    %mul3A_16 = arith.muli %add3A_14, %mul3A_15 : i32
    "tpu.region"() ({
      %run_scoped3A = tpu.sem_alloc : memref<!tpu.dma_semaphore, #tpu.memory_space<semaphore_mem>>
      %dma_start3A_23 = tpu.memref_slice %arg3[%mul3A_16] : memref<6144xi32, #tpu.memory_space<hbm>> -> memref<96xi32, #tpu.memory_space<hbm>>
      %dma_start3A_24 = tpu.memref_slice %arg3[%mul3A_16] : memref<6144xi32, #tpu.memory_space<hbm>> -> memref<96xi32, #tpu.memory_space<hbm>>
      tpu.enqueue_dma source(%dma_start3A_24 : memref<96xi32, #tpu.memory_space<hbm>>) target(%arg5 : memref<96xi32, #tpu.memory_space<vmem>>) target_semaphore(%run_scoped3A : memref<!tpu.dma_semaphore, #tpu.memory_space<semaphore_mem>>)
      %dma_wait3A_25 = tpu.memref_slice %arg3[%mul3A_16] : memref<6144xi32, #tpu.memory_space<hbm>> -> memref<96xi32, #tpu.memory_space<hbm>>
      %dma_wait3A_26 = tpu.memref_slice %arg3[%mul3A_16] : memref<6144xi32, #tpu.memory_space<hbm>> -> memref<96xi32, #tpu.memory_space<hbm>>
      tpu.wait_dma2 semaphore(%run_scoped3A : memref<!tpu.dma_semaphore, #tpu.memory_space<semaphore_mem>>) src(%dma_wait3A_26 : memref<96xi32, #tpu.memory_space<hbm>>) dst(%arg5 : memref<96xi32, #tpu.memory_space<vmem>>)
      tpu.yield
    }) : () -> ()
    %dma_start3A_17 = arith.constant 0 : i32
    %dma_start3A_18 = arith.constant 0 : i32
    %dma_start3A_19 = tpu.memref_slice %arg2[%dma_start3A_17, %dma_start3A_18] : memref<301056x128xf32, #tpu.memory_space<hbm>> -> memref<301056x128xf32, #tpu.memory_space<hbm>>
    tpu.enqueue_indirect_dma source(%dma_start3A_19 : memref<301056x128xf32, #tpu.memory_space<hbm>>) target(%arg6 : memref<96x128xf32, #tpu.memory_space<vmem>>) offsets(%arg5 : memref<96xi32, #tpu.memory_space<vmem>>) semaphore(%arg7 : memref<!tpu.dma_semaphore, #tpu.memory_space<semaphore_mem>>)
    %dma_wait3A_20 = arith.constant 0 : i32
    %dma_wait3A_21 = arith.constant 0 : i32
    %dma_wait3A_22 = tpu.memref_slice %arg2[%dma_wait3A_20, %dma_wait3A_21] : memref<301056x128xf32, #tpu.memory_space<hbm>> -> memref<301056x128xf32, #tpu.memory_space<hbm>>
    tpu.wait_indirect_dma semaphore(%arg7 : memref<!tpu.dma_semaphore, #tpu.memory_space<semaphore_mem>>) src(%dma_wait3A_22 : memref<301056x128xf32, #tpu.memory_space<hbm>>) dst(%arg6 : memref<96x128xf32, #tpu.memory_space<vmem>>)
    "tpu.region"() ({
      %run_scoped3A = tpu.sem_alloc : memref<!tpu.dma_semaphore, #tpu.memory_space<semaphore_mem>>
      %dma_start3A_23 = arith.constant 0 : i32
      %dma_start3A_24 = tpu.memref_slice %arg4[%mul3A_16, %dma_start3A_23] : memref<6144x128xf32, #tpu.memory_space<hbm>> -> memref<96x128xf32, #tpu.memory_space<hbm>>
      %dma_start3A_25 = arith.constant 0 : i32
      %dma_start3A_26 = tpu.memref_slice %arg4[%mul3A_16, %dma_start3A_25] : memref<6144x128xf32, #tpu.memory_space<hbm>> -> memref<96x128xf32, #tpu.memory_space<hbm>>
      tpu.enqueue_dma source(%arg6 : memref<96x128xf32, #tpu.memory_space<vmem>>) target(%dma_start3A_26 : memref<96x128xf32, #tpu.memory_space<hbm>>) target_semaphore(%run_scoped3A : memref<!tpu.dma_semaphore, #tpu.memory_space<semaphore_mem>>)
      %dma_wait3A_27 = arith.constant 0 : i32
      %dma_wait3A_28 = tpu.memref_slice %arg4[%mul3A_16, %dma_wait3A_27] : memref<6144x128xf32, #tpu.memory_space<hbm>> -> memref<96x128xf32, #tpu.memory_space<hbm>>
      %dma_wait3A_29 = arith.constant 0 : i32
      %dma_wait3A_30 = tpu.memref_slice %arg4[%mul3A_16, %dma_wait3A_29] : memref<6144x128xf32, #tpu.memory_space<hbm>> -> memref<96x128xf32, #tpu.memory_space<hbm>>
      tpu.wait_dma2 semaphore(%run_scoped3A : memref<!tpu.dma_semaphore, #tpu.memory_space<semaphore_mem>>) src(%arg6 : memref<96x128xf32, #tpu.memory_space<vmem>>) dst(%dma_wait3A_30 : memref<96x128xf32, #tpu.memory_space<hbm>>)
      tpu.yield
    }) : () -> ()
    return
  }
}

module attributes {stable_mosaic.version = 14 : i64} {
  func.func @_k1_body(%arg0: i32, %arg1: i32, %arg2: memref<1x96x6272xf32, #tpu.memory_space<vmem>>, %arg3: memref<1x8x6272xi32, #tpu.memory_space<vmem>>, %arg4: memref<1x8x96xf32, #tpu.memory_space<vmem>>, %arg5: memref<1x8x128xf32, #tpu.memory_space<vmem>>) attributes {dimension_semantics = [#tpu.dimension_semantics<arbitrary>, #tpu.dimension_semantics<arbitrary>], iteration_bounds = array<i64: 8, 8>, scalar_prefetch = 0 : i64, scratch_operands = 0 : i64, tpu.core_type = #tpu.core_type<tc>, window_params = [{transform_indices = @transform_0, window_bounds = array<i64: 1, 96, 6272>}, {transform_indices = @transform_1, window_bounds = array<i64: 1, 8, 6272>}, {transform_indices = @transform_2, window_bounds = array<i64: 1, 8, 96>}, {transform_indices = @transform_3, window_bounds = array<i64: 1, 8, 128>}]} {
    %get3A = arith.constant 0 : index
    %get3A_0 = arith.constant 0 : index
    %get3A_1 = arith.constant 0 : index
    %get3A_2 = vector.load %arg2[%get3A, %get3A_0, %get3A_1] : memref<1x96x6272xf32, #tpu.memory_space<vmem>>, vector<1x96x6272xf32>
    %get3A_3 = vector.shape_cast %get3A_2 : vector<1x96x6272xf32> to vector<96x6272xf32>
    %get3A_4 = arith.constant 0 : index
    %get3A_5 = arith.constant 0 : index
    %get3A_6 = arith.constant 0 : index
    %get3A_7 = vector.load %arg3[%get3A_4, %get3A_5, %get3A_6] : memref<1x8x6272xi32, #tpu.memory_space<vmem>>, vector<1x8x6272xi32>
    %get3A_8 = vector.shape_cast %get3A_7 : vector<1x8x6272xi32> to vector<8x6272xi32>
    %convert_element_type3A = arith.sitofp %get3A_8 : vector<8x6272xi32> to vector<8x6272xf32>
    %dot_general3A = arith.constant dense<0.000000e+00> : vector<8x96xf32>
    %dot_general3A_9 = tpu.matmul %convert_element_type3A, %get3A_3, %dot_general3A {dimension_numbers = #tpu.dot_dimension_numbers<[1], [1], [0], [0], [0, 0, 1, 0], [], []>, transpose_lhs_hint = false} : vector<8x6272xf32>, vector<96x6272xf32>, vector<8x96xf32> -> vector<8x96xf32>
    %reduce_sum3A = arith.constant dense<0.000000e+00> : vector<8xf32>
    %reduce_sum3A_10 = vector.multi_reduction <add>, %convert_element_type3A, %reduce_sum3A [1] : vector<8x6272xf32> to vector<8xf32>
    %broadcast_in_dim3A = vector.shape_cast %reduce_sum3A_10 : vector<8xf32> to vector<8x1xf32>
    %broadcast_in_dim3A_11 = vector.shape_cast %broadcast_in_dim3A : vector<8x1xf32> to vector<8x1xf32>
    %broadcast_in_dim3A_12 = vector.broadcast %broadcast_in_dim3A_11 : vector<8x1xf32> to vector<8x128xf32>
    %eq3A = arith.constant 0 : i32
    %eq3A_13 = arith.cmpi eq, %arg1, %eq3A : i32
    %convert_element_type3A_14 = arith.extui %eq3A_13 : i1 to i32
    %cond3A = arith.constant 0 : i32
    %cond3A_15 = arith.cmpi ne, %convert_element_type3A_14, %cond3A : i32
    scf.if %cond3A_15 {
      %swap3A = arith.constant 0 : index
      %swap3A_20 = arith.constant 0 : index
      %swap3A_21 = arith.constant 0 : index
      %swap3A_22 = vector.load %arg4[%swap3A, %swap3A_20, %swap3A_21] : memref<1x8x96xf32, #tpu.memory_space<vmem>>, vector<1x8x96xf32>
      %swap3A_23 = vector.shape_cast %swap3A_22 : vector<1x8x96xf32> to vector<8x96xf32>
      %swap3A_24 = vector.shape_cast %dot_general3A_9 : vector<8x96xf32> to vector<1x8x96xf32>
      tpu.vector_store %arg4[%swap3A, %swap3A_20, %swap3A_21], %swap3A_24 {strides = array<i32>} : memref<1x8x96xf32, #tpu.memory_space<vmem>>, vector<1x8x96xf32>,
      %swap3A_25 = arith.constant 0 : index
      %swap3A_26 = arith.constant 0 : index
      %swap3A_27 = arith.constant 0 : index
      %swap3A_28 = vector.load %arg5[%swap3A_25, %swap3A_26, %swap3A_27] : memref<1x8x128xf32, #tpu.memory_space<vmem>>, vector<1x8x128xf32>
      %swap3A_29 = vector.shape_cast %swap3A_28 : vector<1x8x128xf32> to vector<8x128xf32>
      %swap3A_30 = vector.shape_cast %broadcast_in_dim3A_12 : vector<8x128xf32> to vector<1x8x128xf32>
      tpu.vector_store %arg5[%swap3A_25, %swap3A_26, %swap3A_27], %swap3A_30 {strides = array<i32>} : memref<1x8x128xf32, #tpu.memory_space<vmem>>, vector<1x8x128xf32>,
    } else {
    }
    %ne3A = arith.constant 0 : i32
    %ne3A_16 = arith.cmpi ne, %arg1, %ne3A : i32
    %convert_element_type3A_17 = arith.extui %ne3A_16 : i1 to i32
    %cond3A_18 = arith.constant 0 : i32
    %cond3A_19 = arith.cmpi ne, %convert_element_type3A_17, %cond3A_18 : i32
    scf.if %cond3A_19 {
      %get3A_20 = arith.constant 0 : index
      %get3A_21 = arith.constant 0 : index
      %get3A_22 = arith.constant 0 : index
      %get3A_23 = vector.load %arg4[%get3A_20, %get3A_21, %get3A_22] : memref<1x8x96xf32, #tpu.memory_space<vmem>>, vector<1x8x96xf32>
      %get3A_24 = vector.shape_cast %get3A_23 : vector<1x8x96xf32> to vector<8x96xf32>
      %add3A = arith.addf %get3A_24, %dot_general3A_9 : vector<8x96xf32>
      %swap3A = arith.constant 0 : index
      %swap3A_25 = arith.constant 0 : index
      %swap3A_26 = arith.constant 0 : index
      %swap3A_27 = vector.load %arg4[%swap3A, %swap3A_25, %swap3A_26] : memref<1x8x96xf32, #tpu.memory_space<vmem>>, vector<1x8x96xf32>
      %swap3A_28 = vector.shape_cast %swap3A_27 : vector<1x8x96xf32> to vector<8x96xf32>
      %swap3A_29 = vector.shape_cast %add3A : vector<8x96xf32> to vector<1x8x96xf32>
      tpu.vector_store %arg4[%swap3A, %swap3A_25, %swap3A_26], %swap3A_29 {strides = array<i32>} : memref<1x8x96xf32, #tpu.memory_space<vmem>>, vector<1x8x96xf32>,
      %get3A_30 = arith.constant 0 : index
      %get3A_31 = arith.constant 0 : index
      %get3A_32 = arith.constant 0 : index
      %get3A_33 = vector.load %arg5[%get3A_30, %get3A_31, %get3A_32] : memref<1x8x128xf32, #tpu.memory_space<vmem>>, vector<1x8x128xf32>
      %get3A_34 = vector.shape_cast %get3A_33 : vector<1x8x128xf32> to vector<8x128xf32>
      %add3A_35 = arith.addf %get3A_34, %broadcast_in_dim3A_12 : vector<8x128xf32>
      %swap3A_36 = arith.constant 0 : index
      %swap3A_37 = arith.constant 0 : index
      %swap3A_38 = arith.constant 0 : index
      %swap3A_39 = vector.load %arg5[%swap3A_36, %swap3A_37, %swap3A_38] : memref<1x8x128xf32, #tpu.memory_space<vmem>>, vector<1x8x128xf32>
      %swap3A_40 = vector.shape_cast %swap3A_39 : vector<1x8x128xf32> to vector<8x128xf32>
      %swap3A_41 = vector.shape_cast %add3A_35 : vector<8x128xf32> to vector<1x8x128xf32>
      tpu.vector_store %arg5[%swap3A_36, %swap3A_37, %swap3A_38], %swap3A_41 {strides = array<i32>} : memref<1x8x128xf32, #tpu.memory_space<vmem>>, vector<1x8x128xf32>,
    } else {
    }
    return
  }
  func.func @transform_0(%arg0: i32, %arg1: i32) -> (i32, i32, i32) {
    %c0_i32 = arith.constant 0 : i32
    %c0_i32_0 = arith.constant 0 : i32
    return %arg0, %c0_i32, %arg1 : i32, i32, i32
  }
  func.func @transform_1(%arg0: i32, %arg1: i32) -> (i32, i32, i32) {
    %c0_i32 = arith.constant 0 : i32
    %c0_i32_0 = arith.constant 0 : i32
    return %arg0, %c0_i32, %arg1 : i32, i32, i32
  }
  func.func @transform_2(%arg0: i32, %arg1: i32) -> (i32, i32, i32) {
    %c0_i32 = arith.constant 0 : i32
    %c0_i32_0 = arith.constant 0 : i32
    %c0_i32_1 = arith.constant 0 : i32
    return %arg0, %c0_i32, %c0_i32_0 : i32, i32, i32
  }
  func.func @transform_3(%arg0: i32, %arg1: i32) -> (i32, i32, i32) {
    %c0_i32 = arith.constant 0 : i32
    %c0_i32_0 = arith.constant 0 : i32
    %c0_i32_1 = arith.constant 0 : i32
    return %arg0, %c0_i32, %c0_i32_0 : i32, i32, i32
  }
}

module attributes {stable_mosaic.version = 14 : i64} {
  func.func @_k2_body(%arg0: i32, %arg1: memref<64xi32, #tpu.memory_space<smem>>, %arg2: memref<1x392x128xi32, #tpu.memory_space<vmem>>, %arg3: memref<1x1x128xi32, #tpu.memory_space<vmem>>) attributes {dimension_semantics = [#tpu.dimension_semantics<arbitrary>], iteration_bounds = array<i64: 64>, scalar_prefetch = 1 : i64, scratch_operands = 0 : i64, tpu.core_type = #tpu.core_type<tc>, window_params = [{transform_indices = @transform_0, window_bounds = array<i64: 1, 392, 128>}, {transform_indices = @transform_1, window_bounds = array<i64: 1, 1, 128>}]} {
    %get3A = arith.constant 0 : index
    %get3A_0 = arith.constant 0 : index
    %get3A_1 = arith.constant 0 : index
    %get3A_2 = vector.load %arg2[%get3A, %get3A_0, %get3A_1] : memref<1x392x128xi32, #tpu.memory_space<vmem>>, vector<1x392x128xi32>
    %get3A_3 = vector.shape_cast %get3A_2 : vector<1x392x128xi32> to vector<392x128xi32>
    %convert_element_type3A = arith.sitofp %get3A_3 : vector<392x128xi32> to vector<392x128xf32>
    %iota3A = tpu.iota {dimensions = array<i32: 0>} : vector<128x128xi32>
    %iota3A_4 = tpu.iota {dimensions = array<i32: 1>} : vector<128x128xi32>
    %le3A = arith.cmpi sle, %iota3A, %iota3A_4 : vector<128x128xi32>
    %convert_element_type3A_5 = arith.extui %le3A : vector<128x128xi1> to vector<128x128xi32>
    %convert_element_type3A_6 = arith.sitofp %convert_element_type3A_5 : vector<128x128xi32> to vector<128x128xf32>
    %dot_general3A = arith.constant dense<0.000000e+00> : vector<392x128xf32>
    %dot_general3A_7 = tpu.matmul %convert_element_type3A, %convert_element_type3A_6, %dot_general3A {dimension_numbers = #tpu.dot_dimension_numbers<[1], [0], [0], [1], [0, 0, 1, 1], [], []>, transpose_lhs_hint = false} : vector<392x128xf32>, vector<128x128xf32>, vector<392x128xf32> -> vector<392x128xf32>
    %slice3A = vector.extract_strided_slice %dot_general3A_7 {offsets = [0, 127], sizes = [392, 1], strides = [1, 1]} : vector<392x128xf32> to vector<392x1xf32>
    %iota3A_8 = tpu.iota {dimensions = array<i32: 0>} : vector<392x392xi32>
    %iota3A_9 = tpu.iota {dimensions = array<i32: 1>} : vector<392x392xi32>
    %lt3A = arith.cmpi slt, %iota3A_9, %iota3A_8 : vector<392x392xi32>
    %convert_element_type3A_10 = arith.extui %lt3A : vector<392x392xi1> to vector<392x392xi32>
    %convert_element_type3A_11 = arith.sitofp %convert_element_type3A_10 : vector<392x392xi32> to vector<392x392xf32>
    %dot_general3A_12 = arith.constant dense<0.000000e+00> : vector<392x1xf32>
    %dot_general3A_13 = tpu.matmul %convert_element_type3A_11, %slice3A, %dot_general3A_12 {dimension_numbers = #tpu.dot_dimension_numbers<[1], [0], [0], [1], [0, 0, 1, 1], [], []>, transpose_lhs_hint = false} : vector<392x392xf32>, vector<392x1xf32>, vector<392x1xf32> -> vector<392x1xf32>
    %add3A = vector.broadcast %dot_general3A_13 : vector<392x1xf32> to vector<392x128xf32>
    %add3A_14 = arith.addf %add3A, %dot_general3A_7 : vector<392x128xf32>
    %get3A_15 = arith.index_cast %arg0 : i32 to index
    %get3A_16 = memref.load %arg1[%get3A_15] : memref<64xi32, #tpu.memory_space<smem>>
    %sub3A = arith.constant 1 : i32
    %sub3A_17 = arith.subi %get3A_16, %sub3A : i32
    %convert_element_type3A_18 = arith.sitofp %sub3A_17 : i32 to f32
    %le3A_19 = vector.broadcast %convert_element_type3A_18 : f32 to vector<392x128xf32>
    %le3A_20 = arith.cmpf ole, %add3A_14, %le3A_19 : vector<392x128xf32>
    %jit3A = arith.constant 1.000000e+00 : f32
    %jit3A_21 = arith.constant 0.000000e+00 : f32
    %broadcast_in_dim3A = vector.broadcast %jit3A : f32 to vector<392x128xf32>
    %broadcast_in_dim3A_22 = vector.broadcast %jit3A_21 : f32 to vector<392x128xf32>
    %select_n3A = arith.select %le3A_20, %broadcast_in_dim3A, %broadcast_in_dim3A_22 : vector<392x128xi1>, vector<392x128xf32>
    %reduce_sum3A = vector.shape_cast %select_n3A : vector<392x128xf32> to vector<1x392x128xf32>
    %reduce_sum3A_23 = arith.constant dense<0.000000e+00> : vector<1xf32>
    %reduce_sum3A_24 = vector.multi_reduction <add>, %reduce_sum3A, %reduce_sum3A_23 [1, 2] : vector<1x392x128xf32> to vector<1xf32>
    %reduce_sum3A_25 = vector.shape_cast %reduce_sum3A_24 : vector<1xf32> to vector<1x1x1xf32>
    %reduce_sum3A_26 = vector.extract %reduce_sum3A_25[0, 0, 0] : f32 from vector<1x1x1xf32>
    %min3A = arith.constant 5.017500e+04 : f32
    %min3A_27 = arith.minimumf %reduce_sum3A_26, %min3A : f32
    %convert_element_type3A_28 = arith.fptosi %min3A_27 : f32 to i32
    %broadcast_in_dim3A_29 = vector.broadcast %convert_element_type3A_28 : i32 to vector<1x128xi32>
    %swap3A = arith.constant 0 : index
    %swap3A_30 = arith.constant 0 : index
    %swap3A_31 = arith.constant 0 : index
    %swap3A_32 = vector.load %arg3[%swap3A, %swap3A_30, %swap3A_31] : memref<1x1x128xi32, #tpu.memory_space<vmem>>, vector<1x1x128xi32>
    %swap3A_33 = vector.shape_cast %swap3A_32 : vector<1x1x128xi32> to vector<1x128xi32>
    %swap3A_34 = vector.shape_cast %broadcast_in_dim3A_29 : vector<1x128xi32> to vector<1x1x128xi32>
    tpu.vector_store %arg3[%swap3A, %swap3A_30, %swap3A_31], %swap3A_34 {strides = array<i32>} : memref<1x1x128xi32, #tpu.memory_space<vmem>>, vector<1x1x128xi32>,
    return
  }
  func.func @transform_0(%arg0: i32, %arg1: memref<64xi32, #tpu.memory_space<smem>>) -> (i32, i32, i32) {
    %c0_i32 = arith.constant 0 : i32
    %c0_i32_0 = arith.constant 0 : i32
    %c0_i32_1 = arith.constant 0 : i32
    return %arg0, %c0_i32, %c0_i32_0 : i32, i32, i32
  }
  func.func @transform_1(%arg0: i32, %arg1: memref<64xi32, #tpu.memory_space<smem>>) -> (i32, i32, i32) {
    %c0_i32 = arith.constant 0 : i32
    %c0_i32_0 = arith.constant 0 : i32
    %c0_i32_1 = arith.constant 0 : i32
    return %arg0, %c0_i32, %c0_i32_0 : i32, i32, i32
  }
}

module attributes {stable_mosaic.version = 14 : i64} {
  func.func @_k4_body(%arg0: memref<8x8x96xf32, #tpu.memory_space<vmem>>, %arg1: memref<8x8xf32, #tpu.memory_space<vmem>>, %arg2: memref<8x8x96x128xf32, #tpu.memory_space<vmem>>, %arg3: memref<8x8xi32, #tpu.memory_space<vmem>>, %arg4: memref<4x8xf32, #tpu.memory_space<vmem>>, %arg5: memref<8x128xf32, #tpu.memory_space<vmem>>) attributes {dimension_semantics = [], scalar_prefetch = 0 : i64, scratch_operands = 0 : i64, tpu.core_type = #tpu.core_type<tc>} {
    %iota3A = tpu.iota {dimensions = array<i32: 0>} : vector<8x8xi32>
    %iota3A_0 = tpu.iota {dimensions = array<i32: 1>} : vector<8x8xi32>
    %eq3A = arith.cmpi eq, %iota3A, %iota3A_0 : vector<8x8xi32>
    %get3A = arith.constant 0 : index
    %get3A_1 = arith.constant 0 : index
    %get3A_2 = vector.load %arg1[%get3A, %get3A_1] : memref<8x8xf32, #tpu.memory_space<vmem>>, vector<1x8xf32>
    %transpose3A = tpu.transpose %get3A_2, [1, 0] : vector<1x8xf32> -> vector<8x1xf32>
    %get3A_3 = arith.constant 0 : index
    %get3A_4 = arith.constant 0 : index
    %get3A_5 = arith.constant 0 : index
    %get3A_6 = vector.load %arg0[%get3A_3, %get3A_4, %get3A_5] : memref<8x8x96xf32, #tpu.memory_space<vmem>>, vector<1x8x96xf32>
    %get3A_7 = vector.shape_cast %get3A_6 : vector<1x8x96xf32> to vector<8x96xf32>
    %max3A = arith.constant 1.000000e+00 : f32
    %max3A_8 = vector.broadcast %max3A : f32 to vector<8x1xf32>
    %max3A_9 = arith.maximumf %transpose3A, %max3A_8 : vector<8x1xf32>
    %div3A = vector.broadcast %max3A_9 : vector<8x1xf32> to vector<8x96xf32>
    %div3A_10 = arith.divf %get3A_7, %div3A : vector<8x96xf32>
    %get3A_11 = arith.constant 0 : index
    %get3A_12 = arith.constant 0 : index
    %get3A_13 = vector.load %arg3[%get3A_11, %get3A_12] : memref<8x8xi32, #tpu.memory_space<vmem>>, vector<1x8xi32>
    %transpose3A_14 = tpu.transpose %get3A_13, [1, 0] : vector<1x8xi32> -> vector<8x1xi32>
    %iota3A_15 = tpu.iota {dimensions = array<i32: 1>} : vector<8x128xi32>
    %eq3A_16 = vector.broadcast %transpose3A_14 : vector<8x1xi32> to vector<8x128xi32>
    %eq3A_17 = arith.cmpi eq, %iota3A_15, %eq3A_16 : vector<8x128xi32>
    %jit3A = arith.constant 1.000000e+00 : f32
    %jit3A_18 = arith.constant 0.000000e+00 : f32
    %broadcast_in_dim3A = vector.broadcast %jit3A : f32 to vector<8x128xf32>
    %broadcast_in_dim3A_19 = vector.broadcast %jit3A_18 : f32 to vector<8x128xf32>
    %select_n3A = arith.select %eq3A_17, %broadcast_in_dim3A, %broadcast_in_dim3A_19 : vector<8x128xi1>, vector<8x128xf32>
    %get3A_20 = arith.constant 0 : index
    %get3A_21 = arith.constant 0 : index
    %get3A_22 = arith.constant 0 : index
    %get3A_23 = arith.constant 0 : index
    %get3A_24 = vector.load %arg2[%get3A_20, %get3A_21, %get3A_22, %get3A_23] : memref<8x8x96x128xf32, #tpu.memory_space<vmem>>, vector<1x8x96x128xf32>
    %get3A_25 = vector.shape_cast %get3A_24 : vector<1x8x96x128xf32> to vector<8x96x128xf32>
    %broadcast_in_dim3A_26 = vector.shape_cast %select_n3A : vector<8x128xf32> to vector<8x1x128xf32>
    %mul3A = vector.broadcast %broadcast_in_dim3A_26 : vector<8x1x128xf32> to vector<8x96x128xf32>
    %mul3A_27 = arith.mulf %get3A_25, %mul3A : vector<8x96x128xf32>
    %reduce_sum3A = arith.constant dense<0.000000e+00> : vector<8x96xf32>
    %reduce_sum3A_28 = vector.multi_reduction <add>, %mul3A_27, %reduce_sum3A [2] : vector<8x96x128xf32> to vector<8x96xf32>
    %mul3A_29 = arith.mulf %div3A_10, %div3A_10 : vector<8x96xf32>
    %reduce_sum3A_30 = arith.constant dense<0.000000e+00> : vector<8xf32>
    %reduce_sum3A_31 = vector.multi_reduction <add>, %mul3A_29, %reduce_sum3A_30 [1] : vector<8x96xf32> to vector<8xf32>
    %broadcast_in_dim3A_32 = vector.shape_cast %reduce_sum3A_31 : vector<8xf32> to vector<8x1xf32>
    %sqrt3A = math.sqrt %broadcast_in_dim3A_32 : vector<8x1xf32>
    %mul3A_33 = arith.mulf %reduce_sum3A_28, %reduce_sum3A_28 : vector<8x96xf32>
    %reduce_sum3A_34 = arith.constant dense<0.000000e+00> : vector<8xf32>
    %reduce_sum3A_35 = vector.multi_reduction <add>, %mul3A_33, %reduce_sum3A_34 [1] : vector<8x96xf32> to vector<8xf32>
    %broadcast_in_dim3A_36 = vector.shape_cast %reduce_sum3A_35 : vector<8xf32> to vector<8x1xf32>
    %sqrt3A_37 = math.sqrt %broadcast_in_dim3A_36 : vector<8x1xf32>
    %dot_general3A = arith.constant dense<0.000000e+00> : vector<8x8xf32>
    %dot_general3A_38 = tpu.matmul %reduce_sum3A_28, %div3A_10, %dot_general3A {dimension_numbers = #tpu.dot_dimension_numbers<[1], [1], [0], [0], [0, 0, 1, 0], [], []>, transpose_lhs_hint = false} : vector<8x96xf32>, vector<8x96xf32>, vector<8x8xf32> -> vector<8x8xf32>
    %transpose3A_39 = tpu.transpose %sqrt3A, [1, 0] : vector<8x1xf32> -> vector<1x8xf32>
    %mul3A_40 = vector.broadcast %sqrt3A_37 : vector<8x1xf32> to vector<8x8xf32>
    %mul3A_41 = vector.broadcast %transpose3A_39 : vector<1x8xf32> to vector<8x8xf32>
    %mul3A_42 = arith.mulf %mul3A_40, %mul3A_41 : vector<8x8xf32>
    %max3A_43 = arith.constant 9.99999993E-9 : f32
    %max3A_44 = vector.broadcast %max3A_43 : f32 to vector<8x8xf32>
    %max3A_45 = arith.maximumf %mul3A_42, %max3A_44 : vector<8x8xf32>
    %div3A_46 = arith.divf %dot_general3A_38, %max3A_45 : vector<8x8xf32>
    %div3A_47 = arith.constant 2.000000e-01 : f32
    %div3A_48 = vector.broadcast %div3A_47 : f32 to vector<8x8xf32>
    %div3A_49 = arith.divf %div3A_46, %div3A_48 : vector<8x8xf32>
    %gt3A = arith.constant 0.000000e+00 : f32
    %gt3A_50 = vector.broadcast %gt3A : f32 to vector<1x8xf32>
    %gt3A_51 = arith.cmpf ogt, %get3A_2, %gt3A_50 : vector<1x8xf32>
    %get3A_52 = arith.constant 1 : index
    %get3A_53 = arith.constant 0 : index
    %get3A_54 = vector.load %arg1[%get3A_52, %get3A_53] : memref<8x8xf32, #tpu.memory_space<vmem>>, vector<1x8xf32>
    %transpose3A_55 = tpu.transpose %get3A_54, [1, 0] : vector<1x8xf32> -> vector<8x1xf32>
    %get3A_56 = arith.constant 1 : index
    %get3A_57 = arith.constant 0 : index
    %get3A_58 = arith.constant 0 : index
    %get3A_59 = vector.load %arg0[%get3A_56, %get3A_57, %get3A_58] : memref<8x8x96xf32, #tpu.memory_space<vmem>>, vector<1x8x96xf32>
    %get3A_60 = vector.shape_cast %get3A_59 : vector<1x8x96xf32> to vector<8x96xf32>
    %max3A_61 = arith.constant 1.000000e+00 : f32
    %max3A_62 = vector.broadcast %max3A_61 : f32 to vector<8x1xf32>
    %max3A_63 = arith.maximumf %transpose3A_55, %max3A_62 : vector<8x1xf32>
    %div3A_64 = vector.broadcast %max3A_63 : vector<8x1xf32> to vector<8x96xf32>
    %div3A_65 = arith.divf %get3A_60, %div3A_64 : vector<8x96xf32>
    %get3A_66 = arith.constant 1 : index
    %get3A_67 = arith.constant 0 : index
    %get3A_68 = vector.load %arg3[%get3A_66, %get3A_67] : memref<8x8xi32, #tpu.memory_space<vmem>>, vector<1x8xi32>
    %transpose3A_69 = tpu.transpose %get3A_68, [1, 0] : vector<1x8xi32> -> vector<8x1xi32>
    %iota3A_70 = tpu.iota {dimensions = array<i32: 1>} : vector<8x128xi32>
    %eq3A_71 = vector.broadcast %transpose3A_69 : vector<8x1xi32> to vector<8x128xi32>
    %eq3A_72 = arith.cmpi eq, %iota3A_70, %eq3A_71 : vector<8x128xi32>
    %jit3A_73 = arith.constant 1.000000e+00 : f32
    %jit3A_74 = arith.constant 0.000000e+00 : f32
    %broadcast_in_dim3A_75 = vector.broadcast %jit3A_73 : f32 to vector<8x128xf32>
    %broadcast_in_dim3A_76 = vector.broadcast %jit3A_74 : f32 to vector<8x128xf32>
    %select_n3A_77 = arith.select %eq3A_72, %broadcast_in_dim3A_75, %broadcast_in_dim3A_76 : vector<8x128xi1>, vector<8x128xf32>
    %get3A_78 = arith.constant 1 : index
    %get3A_79 = arith.constant 0 : index
    %get3A_80 = arith.constant 0 : index
    %get3A_81 = arith.constant 0 : index
    %get3A_82 = vector.load %arg2[%get3A_78, %get3A_79, %get3A_80, %get3A_81] : memref<8x8x96x128xf32, #tpu.memory_space<vmem>>, vector<1x8x96x128xf32>
    %get3A_83 = vector.shape_cast %get3A_82 : vector<1x8x96x128xf32> to vector<8x96x128xf32>
    %broadcast_in_dim3A_84 = vector.shape_cast %select_n3A_77 : vector<8x128xf32> to vector<8x1x128xf32>
    %mul3A_85 = vector.broadcast %broadcast_in_dim3A_84 : vector<8x1x128xf32> to vector<8x96x128xf32>
    %mul3A_86 = arith.mulf %get3A_83, %mul3A_85 : vector<8x96x128xf32>
    %reduce_sum3A_87 = arith.constant dense<0.000000e+00> : vector<8x96xf32>
    %reduce_sum3A_88 = vector.multi_reduction <add>, %mul3A_86, %reduce_sum3A_87 [2] : vector<8x96x128xf32> to vector<8x96xf32>
    %mul3A_89 = arith.mulf %div3A_65, %div3A_65 : vector<8x96xf32>
    %reduce_sum3A_90 = arith.constant dense<0.000000e+00> : vector<8xf32>
    %reduce_sum3A_91 = vector.multi_reduction <add>, %mul3A_89, %reduce_sum3A_90 [1] : vector<8x96xf32> to vector<8xf32>
    %broadcast_in_dim3A_92 = vector.shape_cast %reduce_sum3A_91 : vector<8xf32> to vector<8x1xf32>
    %sqrt3A_93 = math.sqrt %broadcast_in_dim3A_92 : vector<8x1xf32>
    %mul3A_94 = arith.mulf %reduce_sum3A_88, %reduce_sum3A_88 : vector<8x96xf32>
    %reduce_sum3A_95 = arith.constant dense<0.000000e+00> : vector<8xf32>
    %reduce_sum3A_96 = vector.multi_reduction <add>, %mul3A_94, %reduce_sum3A_95 [1] : vector<8x96xf32> to vector<8xf32>
    %broadcast_in_dim3A_97 = vector.shape_cast %reduce_sum3A_96 : vector<8xf32> to vector<8x1xf32>
    %sqrt3A_98 = math.sqrt %broadcast_in_dim3A_97 : vector<8x1xf32>
    %dot_general3A_99 = arith.constant dense<0.000000e+00> : vector<8x8xf32>
    %dot_general3A_100 = tpu.matmul %reduce_sum3A_88, %div3A_65, %dot_general3A_99 {dimension_numbers = #tpu.dot_dimension_numbers<[1], [1], [0], [0], [0, 0, 1, 0], [], []>, transpose_lhs_hint = false} : vector<8x96xf32>, vector<8x96xf32>, vector<8x8xf32> -> vector<8x8xf32>
    %transpose3A_101 = tpu.transpose %sqrt3A_93, [1, 0] : vector<8x1xf32> -> vector<1x8xf32>
    %mul3A_102 = vector.broadcast %sqrt3A_98 : vector<8x1xf32> to vector<8x8xf32>
    %mul3A_103 = vector.broadcast %transpose3A_101 : vector<1x8xf32> to vector<8x8xf32>
    %mul3A_104 = arith.mulf %mul3A_102, %mul3A_103 : vector<8x8xf32>
    %max3A_105 = arith.constant 9.99999993E-9 : f32
    %max3A_106 = vector.broadcast %max3A_105 : f32 to vector<8x8xf32>
    %max3A_107 = arith.maximumf %mul3A_104, %max3A_106 : vector<8x8xf32>
    %div3A_108 = arith.divf %dot_general3A_100, %max3A_107 : vector<8x8xf32>
    %div3A_109 = arith.constant 2.000000e-01 : f32
    %div3A_110 = vector.broadcast %div3A_109 : f32 to vector<8x8xf32>
    %div3A_111 = arith.divf %div3A_108, %div3A_110 : vector<8x8xf32>
    %gt3A_112 = arith.constant 0.000000e+00 : f32
    %gt3A_113 = vector.broadcast %gt3A_112 : f32 to vector<1x8xf32>
    %gt3A_114 = arith.cmpf ogt, %get3A_54, %gt3A_113 : vector<1x8xf32>
    %get3A_115 = arith.constant 2 : index
    %get3A_116 = arith.constant 0 : index
    %get3A_117 = vector.load %arg1[%get3A_115, %get3A_116] : memref<8x8xf32, #tpu.memory_space<vmem>>, vector<1x8xf32>
    %transpose3A_118 = tpu.transpose %get3A_117, [1, 0] : vector<1x8xf32> -> vector<8x1xf32>
    %get3A_119 = arith.constant 2 : index
    %get3A_120 = arith.constant 0 : index
    %get3A_121 = arith.constant 0 : index
    %get3A_122 = vector.load %arg0[%get3A_119, %get3A_120, %get3A_121] : memref<8x8x96xf32, #tpu.memory_space<vmem>>, vector<1x8x96xf32>
    %get3A_123 = vector.shape_cast %get3A_122 : vector<1x8x96xf32> to vector<8x96xf32>
    %max3A_124 = arith.constant 1.000000e+00 : f32
    %max3A_125 = vector.broadcast %max3A_124 : f32 to vector<8x1xf32>
    %max3A_126 = arith.maximumf %transpose3A_118, %max3A_125 : vector<8x1xf32>
    %div3A_127 = vector.broadcast %max3A_126 : vector<8x1xf32> to vector<8x96xf32>
    %div3A_128 = arith.divf %get3A_123, %div3A_127 : vector<8x96xf32>
    %get3A_129 = arith.constant 2 : index
    %get3A_130 = arith.constant 0 : index
    %get3A_131 = vector.load %arg3[%get3A_129, %get3A_130] : memref<8x8xi32, #tpu.memory_space<vmem>>, vector<1x8xi32>
    %transpose3A_132 = tpu.transpose %get3A_131, [1, 0] : vector<1x8xi32> -> vector<8x1xi32>
    %iota3A_133 = tpu.iota {dimensions = array<i32: 1>} : vector<8x128xi32>
    %eq3A_134 = vector.broadcast %transpose3A_132 : vector<8x1xi32> to vector<8x128xi32>
    %eq3A_135 = arith.cmpi eq, %iota3A_133, %eq3A_134 : vector<8x128xi32>
    %jit3A_136 = arith.constant 1.000000e+00 : f32
    %jit3A_137 = arith.constant 0.000000e+00 : f32
    %broadcast_in_dim3A_138 = vector.broadcast %jit3A_136 : f32 to vector<8x128xf32>
    %broadcast_in_dim3A_139 = vector.broadcast %jit3A_137 : f32 to vector<8x128xf32>
    %select_n3A_140 = arith.select %eq3A_135, %broadcast_in_dim3A_138, %broadcast_in_dim3A_139 : vector<8x128xi1>, vector<8x128xf32>
    %get3A_141 = arith.constant 2 : index
    %get3A_142 = arith.constant 0 : index
    %get3A_143 = arith.constant 0 : index
    %get3A_144 = arith.constant 0 : index
    %get3A_145 = vector.load %arg2[%get3A_141, %get3A_142, %get3A_143, %get3A_144] : memref<8x8x96x128xf32, #tpu.memory_space<vmem>>, vector<1x8x96x128xf32>
    %get3A_146 = vector.shape_cast %get3A_145 : vector<1x8x96x128xf32> to vector<8x96x128xf32>
    %broadcast_in_dim3A_147 = vector.shape_cast %select_n3A_140 : vector<8x128xf32> to vector<8x1x128xf32>
    %mul3A_148 = vector.broadcast %broadcast_in_dim3A_147 : vector<8x1x128xf32> to vector<8x96x128xf32>
    %mul3A_149 = arith.mulf %get3A_146, %mul3A_148 : vector<8x96x128xf32>
    %reduce_sum3A_150 = arith.constant dense<0.000000e+00> : vector<8x96xf32>
    %reduce_sum3A_151 = vector.multi_reduction <add>, %mul3A_149, %reduce_sum3A_150 [2] : vector<8x96x128xf32> to vector<8x96xf32>
    %mul3A_152 = arith.mulf %div3A_128, %div3A_128 : vector<8x96xf32>
    %reduce_sum3A_153 = arith.constant dense<0.000000e+00> : vector<8xf32>
    %reduce_sum3A_154 = vector.multi_reduction <add>, %mul3A_152, %reduce_sum3A_153 [1] : vector<8x96xf32> to vector<8xf32>
    %broadcast_in_dim3A_155 = vector.shape_cast %reduce_sum3A_154 : vector<8xf32> to vector<8x1xf32>
    %sqrt3A_156 = math.sqrt %broadcast_in_dim3A_155 : vector<8x1xf32>
    %mul3A_157 = arith.mulf %reduce_sum3A_151, %reduce_sum3A_151 : vector<8x96xf32>
    %reduce_sum3A_158 = arith.constant dense<0.000000e+00> : vector<8xf32>
    %reduce_sum3A_159 = vector.multi_reduction <add>, %mul3A_157, %reduce_sum3A_158 [1] : vector<8x96xf32> to vector<8xf32>
    %broadcast_in_dim3A_160 = vector.shape_cast %reduce_sum3A_159 : vector<8xf32> to vector<8x1xf32>
    %sqrt3A_161 = math.sqrt %broadcast_in_dim3A_160 : vector<8x1xf32>
    %dot_general3A_162 = arith.constant dense<0.000000e+00> : vector<8x8xf32>
    %dot_general3A_163 = tpu.matmul %reduce_sum3A_151, %div3A_128, %dot_general3A_162 {dimension_numbers = #tpu.dot_dimension_numbers<[1], [1], [0], [0], [0, 0, 1, 0], [], []>, transpose_lhs_hint = false} : vector<8x96xf32>, vector<8x96xf32>, vector<8x8xf32> -> vector<8x8xf32>
    %transpose3A_164 = tpu.transpose %sqrt3A_156, [1, 0] : vector<8x1xf32> -> vector<1x8xf32>
    %mul3A_165 = vector.broadcast %sqrt3A_161 : vector<8x1xf32> to vector<8x8xf32>
    %mul3A_166 = vector.broadcast %transpose3A_164 : vector<1x8xf32> to vector<8x8xf32>
    %mul3A_167 = arith.mulf %mul3A_165, %mul3A_166 : vector<8x8xf32>
    %max3A_168 = arith.constant 9.99999993E-9 : f32
    %max3A_169 = vector.broadcast %max3A_168 : f32 to vector<8x8xf32>
    %max3A_170 = arith.maximumf %mul3A_167, %max3A_169 : vector<8x8xf32>
    %div3A_171 = arith.divf %dot_general3A_163, %max3A_170 : vector<8x8xf32>
    %div3A_172 = arith.constant 2.000000e-01 : f32
    %div3A_173 = vector.broadcast %div3A_172 : f32 to vector<8x8xf32>
    %div3A_174 = arith.divf %div3A_171, %div3A_173 : vector<8x8xf32>
    %gt3A_175 = arith.constant 0.000000e+00 : f32
    %gt3A_176 = vector.broadcast %gt3A_175 : f32 to vector<1x8xf32>
    %gt3A_177 = arith.cmpf ogt, %get3A_117, %gt3A_176 : vector<1x8xf32>
    %get3A_178 = arith.constant 3 : index
    %get3A_179 = arith.constant 0 : index
    %get3A_180 = vector.load %arg1[%get3A_178, %get3A_179] : memref<8x8xf32, #tpu.memory_space<vmem>>, vector<1x8xf32>
    %transpose3A_181 = tpu.transpose %get3A_180, [1, 0] : vector<1x8xf32> -> vector<8x1xf32>
    %get3A_182 = arith.constant 3 : index
    %get3A_183 = arith.constant 0 : index
    %get3A_184 = arith.constant 0 : index
    %get3A_185 = vector.load %arg0[%get3A_182, %get3A_183, %get3A_184] : memref<8x8x96xf32, #tpu.memory_space<vmem>>, vector<1x8x96xf32>
    %get3A_186 = vector.shape_cast %get3A_185 : vector<1x8x96xf32> to vector<8x96xf32>
    %max3A_187 = arith.constant 1.000000e+00 : f32
    %max3A_188 = vector.broadcast %max3A_187 : f32 to vector<8x1xf32>
    %max3A_189 = arith.maximumf %transpose3A_181, %max3A_188 : vector<8x1xf32>
    %div3A_190 = vector.broadcast %max3A_189 : vector<8x1xf32> to vector<8x96xf32>
    %div3A_191 = arith.divf %get3A_186, %div3A_190 : vector<8x96xf32>
    %get3A_192 = arith.constant 3 : index
    %get3A_193 = arith.constant 0 : index
    %get3A_194 = vector.load %arg3[%get3A_192, %get3A_193] : memref<8x8xi32, #tpu.memory_space<vmem>>, vector<1x8xi32>
    %transpose3A_195 = tpu.transpose %get3A_194, [1, 0] : vector<1x8xi32> -> vector<8x1xi32>
    %iota3A_196 = tpu.iota {dimensions = array<i32: 1>} : vector<8x128xi32>
    %eq3A_197 = vector.broadcast %transpose3A_195 : vector<8x1xi32> to vector<8x128xi32>
    %eq3A_198 = arith.cmpi eq, %iota3A_196, %eq3A_197 : vector<8x128xi32>
    %jit3A_199 = arith.constant 1.000000e+00 : f32
    %jit3A_200 = arith.constant 0.000000e+00 : f32
    %broadcast_in_dim3A_201 = vector.broadcast %jit3A_199 : f32 to vector<8x128xf32>
    %broadcast_in_dim3A_202 = vector.broadcast %jit3A_200 : f32 to vector<8x128xf32>
    %select_n3A_203 = arith.select %eq3A_198, %broadcast_in_dim3A_201, %broadcast_in_dim3A_202 : vector<8x128xi1>, vector<8x128xf32>
    %get3A_204 = arith.constant 3 : index
    %get3A_205 = arith.constant 0 : index
    %get3A_206 = arith.constant 0 : index
    %get3A_207 = arith.constant 0 : index
    %get3A_208 = vector.load %arg2[%get3A_204, %get3A_205, %get3A_206, %get3A_207] : memref<8x8x96x128xf32, #tpu.memory_space<vmem>>, vector<1x8x96x128xf32>
    %get3A_209 = vector.shape_cast %get3A_208 : vector<1x8x96x128xf32> to vector<8x96x128xf32>
    %broadcast_in_dim3A_210 = vector.shape_cast %select_n3A_203 : vector<8x128xf32> to vector<8x1x128xf32>
    %mul3A_211 = vector.broadcast %broadcast_in_dim3A_210 : vector<8x1x128xf32> to vector<8x96x128xf32>
    %mul3A_212 = arith.mulf %get3A_209, %mul3A_211 : vector<8x96x128xf32>
    %reduce_sum3A_213 = arith.constant dense<0.000000e+00> : vector<8x96xf32>
    %reduce_sum3A_214 = vector.multi_reduction <add>, %mul3A_212, %reduce_sum3A_213 [2] : vector<8x96x128xf32> to vector<8x96xf32>
    %mul3A_215 = arith.mulf %div3A_191, %div3A_191 : vector<8x96xf32>
    %reduce_sum3A_216 = arith.constant dense<0.000000e+00> : vector<8xf32>
    %reduce_sum3A_217 = vector.multi_reduction <add>, %mul3A_215, %reduce_sum3A_216 [1] : vector<8x96xf32> to vector<8xf32>
    %broadcast_in_dim3A_218 = vector.shape_cast %reduce_sum3A_217 : vector<8xf32> to vector<8x1xf32>
    %sqrt3A_219 = math.sqrt %broadcast_in_dim3A_218 : vector<8x1xf32>
    %mul3A_220 = arith.mulf %reduce_sum3A_214, %reduce_sum3A_214 : vector<8x96xf32>
    %reduce_sum3A_221 = arith.constant dense<0.000000e+00> : vector<8xf32>
    %reduce_sum3A_222 = vector.multi_reduction <add>, %mul3A_220, %reduce_sum3A_221 [1] : vector<8x96xf32> to vector<8xf32>
    %broadcast_in_dim3A_223 = vector.shape_cast %reduce_sum3A_222 : vector<8xf32> to vector<8x1xf32>
    %sqrt3A_224 = math.sqrt %broadcast_in_dim3A_223 : vector<8x1xf32>
    %dot_general3A_225 = arith.constant dense<0.000000e+00> : vector<8x8xf32>
    %dot_general3A_226 = tpu.matmul %reduce_sum3A_214, %div3A_191, %dot_general3A_225 {dimension_numbers = #tpu.dot_dimension_numbers<[1], [1], [0], [0], [0, 0, 1, 0], [], []>, transpose_lhs_hint = false} : vector<8x96xf32>, vector<8x96xf32>, vector<8x8xf32> -> vector<8x8xf32>
    %transpose3A_227 = tpu.transpose %sqrt3A_219, [1, 0] : vector<8x1xf32> -> vector<1x8xf32>
    %mul3A_228 = vector.broadcast %sqrt3A_224 : vector<8x1xf32> to vector<8x8xf32>
    %mul3A_229 = vector.broadcast %transpose3A_227 : vector<1x8xf32> to vector<8x8xf32>
    %mul3A_230 = arith.mulf %mul3A_228, %mul3A_229 : vector<8x8xf32>
    %max3A_231 = arith.constant 9.99999993E-9 : f32
    %max3A_232 = vector.broadcast %max3A_231 : f32 to vector<8x8xf32>
    %max3A_233 = arith.maximumf %mul3A_230, %max3A_232 : vector<8x8xf32>
    %div3A_234 = arith.divf %dot_general3A_226, %max3A_233 : vector<8x8xf32>
    %div3A_235 = arith.constant 2.000000e-01 : f32
    %div3A_236 = vector.broadcast %div3A_235 : f32 to vector<8x8xf32>
    %div3A_237 = arith.divf %div3A_234, %div3A_236 : vector<8x8xf32>
    %gt3A_238 = arith.constant 0.000000e+00 : f32
    %gt3A_239 = vector.broadcast %gt3A_238 : f32 to vector<1x8xf32>
    %gt3A_240 = arith.cmpf ogt, %get3A_180, %gt3A_239 : vector<1x8xf32>
    %get3A_241 = arith.constant 4 : index
    %get3A_242 = arith.constant 0 : index
    %get3A_243 = vector.load %arg1[%get3A_241, %get3A_242] : memref<8x8xf32, #tpu.memory_space<vmem>>, vector<1x8xf32>
    %transpose3A_244 = tpu.transpose %get3A_243, [1, 0] : vector<1x8xf32> -> vector<8x1xf32>
    %get3A_245 = arith.constant 4 : index
    %get3A_246 = arith.constant 0 : index
    %get3A_247 = arith.constant 0 : index
    %get3A_248 = vector.load %arg0[%get3A_245, %get3A_246, %get3A_247] : memref<8x8x96xf32, #tpu.memory_space<vmem>>, vector<1x8x96xf32>
    %get3A_249 = vector.shape_cast %get3A_248 : vector<1x8x96xf32> to vector<8x96xf32>
    %max3A_250 = arith.constant 1.000000e+00 : f32
    %max3A_251 = vector.broadcast %max3A_250 : f32 to vector<8x1xf32>
    %max3A_252 = arith.maximumf %transpose3A_244, %max3A_251 : vector<8x1xf32>
    %div3A_253 = vector.broadcast %max3A_252 : vector<8x1xf32> to vector<8x96xf32>
    %div3A_254 = arith.divf %get3A_249, %div3A_253 : vector<8x96xf32>
    %get3A_255 = arith.constant 4 : index
    %get3A_256 = arith.constant 0 : index
    %get3A_257 = vector.load %arg3[%get3A_255, %get3A_256] : memref<8x8xi32, #tpu.memory_space<vmem>>, vector<1x8xi32>
    %transpose3A_258 = tpu.transpose %get3A_257, [1, 0] : vector<1x8xi32> -> vector<8x1xi32>
    %iota3A_259 = tpu.iota {dimensions = array<i32: 1>} : vector<8x128xi32>
    %eq3A_260 = vector.broadcast %transpose3A_258 : vector<8x1xi32> to vector<8x128xi32>
    %eq3A_261 = arith.cmpi eq, %iota3A_259, %eq3A_260 : vector<8x128xi32>
    %jit3A_262 = arith.constant 1.000000e+00 : f32
    %jit3A_263 = arith.constant 0.000000e+00 : f32
    %broadcast_in_dim3A_264 = vector.broadcast %jit3A_262 : f32 to vector<8x128xf32>
    %broadcast_in_dim3A_265 = vector.broadcast %jit3A_263 : f32 to vector<8x128xf32>
    %select_n3A_266 = arith.select %eq3A_261, %broadcast_in_dim3A_264, %broadcast_in_dim3A_265 : vector<8x128xi1>, vector<8x128xf32>
    %get3A_267 = arith.constant 4 : index
    %get3A_268 = arith.constant 0 : index
    %get3A_269 = arith.constant 0 : index
    %get3A_270 = arith.constant 0 : index
    %get3A_271 = vector.load %arg2[%get3A_267, %get3A_268, %get3A_269, %get3A_270] : memref<8x8x96x128xf32, #tpu.memory_space<vmem>>, vector<1x8x96x128xf32>
    %get3A_272 = vector.shape_cast %get3A_271 : vector<1x8x96x128xf32> to vector<8x96x128xf32>
    %broadcast_in_dim3A_273 = vector.shape_cast %select_n3A_266 : vector<8x128xf32> to vector<8x1x128xf32>
    %mul3A_274 = vector.broadcast %broadcast_in_dim3A_273 : vector<8x1x128xf32> to vector<8x96x128xf32>
    %mul3A_275 = arith.mulf %get3A_272, %mul3A_274 : vector<8x96x128xf32>
    %reduce_sum3A_276 = arith.constant dense<0.000000e+00> : vector<8x96xf32>
    %reduce_sum3A_277 = vector.multi_reduction <add>, %mul3A_275, %reduce_sum3A_276 [2] : vector<8x96x128xf32> to vector<8x96xf32>
    %mul3A_278 = arith.mulf %div3A_254, %div3A_254 : vector<8x96xf32>
    %reduce_sum3A_279 = arith.constant dense<0.000000e+00> : vector<8xf32>
    %reduce_sum3A_280 = vector.multi_reduction <add>, %mul3A_278, %reduce_sum3A_279 [1] : vector<8x96xf32> to vector<8xf32>
    %broadcast_in_dim3A_281 = vector.shape_cast %reduce_sum3A_280 : vector<8xf32> to vector<8x1xf32>
    %sqrt3A_282 = math.sqrt %broadcast_in_dim3A_281 : vector<8x1xf32>
    %mul3A_283 = arith.mulf %reduce_sum3A_277, %reduce_sum3A_277 : vector<8x96xf32>
    %reduce_sum3A_284 = arith.constant dense<0.000000e+00> : vector<8xf32>
    %reduce_sum3A_285 = vector.multi_reduction <add>, %mul3A_283, %reduce_sum3A_284 [1] : vector<8x96xf32> to vector<8xf32>
    %broadcast_in_dim3A_286 = vector.shape_cast %reduce_sum3A_285 : vector<8xf32> to vector<8x1xf32>
    %sqrt3A_287 = math.sqrt %broadcast_in_dim3A_286 : vector<8x1xf32>
    %dot_general3A_288 = arith.constant dense<0.000000e+00> : vector<8x8xf32>
    %dot_general3A_289 = tpu.matmul %reduce_sum3A_277, %div3A_254, %dot_general3A_288 {dimension_numbers = #tpu.dot_dimension_numbers<[1], [1], [0], [0], [0, 0, 1, 0], [], []>, transpose_lhs_hint = false} : vector<8x96xf32>, vector<8x96xf32>, vector<8x8xf32> -> vector<8x8xf32>
    %transpose3A_290 = tpu.transpose %sqrt3A_282, [1, 0] : vector<8x1xf32> -> vector<1x8xf32>
    %mul3A_291 = vector.broadcast %sqrt3A_287 : vector<8x1xf32> to vector<8x8xf32>
    %mul3A_292 = vector.broadcast %transpose3A_290 : vector<1x8xf32> to vector<8x8xf32>
    %mul3A_293 = arith.mulf %mul3A_291, %mul3A_292 : vector<8x8xf32>
    %max3A_294 = arith.constant 9.99999993E-9 : f32
    %max3A_295 = vector.broadcast %max3A_294 : f32 to vector<8x8xf32>
    %max3A_296 = arith.maximumf %mul3A_293, %max3A_295 : vector<8x8xf32>
    %div3A_297 = arith.divf %dot_general3A_289, %max3A_296 : vector<8x8xf32>
    %div3A_298 = arith.constant 2.000000e-01 : f32
    %div3A_299 = vector.broadcast %div3A_298 : f32 to vector<8x8xf32>
    %div3A_300 = arith.divf %div3A_297, %div3A_299 : vector<8x8xf32>
    %gt3A_301 = arith.constant 0.000000e+00 : f32
    %gt3A_302 = vector.broadcast %gt3A_301 : f32 to vector<1x8xf32>
    %gt3A_303 = arith.cmpf ogt, %get3A_243, %gt3A_302 : vector<1x8xf32>
    %get3A_304 = arith.constant 5 : index
    %get3A_305 = arith.constant 0 : index
    %get3A_306 = vector.load %arg1[%get3A_304, %get3A_305] : memref<8x8xf32, #tpu.memory_space<vmem>>, vector<1x8xf32>
    %transpose3A_307 = tpu.transpose %get3A_306, [1, 0] : vector<1x8xf32> -> vector<8x1xf32>
    %get3A_308 = arith.constant 5 : index
    %get3A_309 = arith.constant 0 : index
    %get3A_310 = arith.constant 0 : index
    %get3A_311 = vector.load %arg0[%get3A_308, %get3A_309, %get3A_310] : memref<8x8x96xf32, #tpu.memory_space<vmem>>, vector<1x8x96xf32>
    %get3A_312 = vector.shape_cast %get3A_311 : vector<1x8x96xf32> to vector<8x96xf32>
    %max3A_313 = arith.constant 1.000000e+00 : f32
    %max3A_314 = vector.broadcast %max3A_313 : f32 to vector<8x1xf32>
    %max3A_315 = arith.maximumf %transpose3A_307, %max3A_314 : vector<8x1xf32>
    %div3A_316 = vector.broadcast %max3A_315 : vector<8x1xf32> to vector<8x96xf32>
    %div3A_317 = arith.divf %get3A_312, %div3A_316 : vector<8x96xf32>
    %get3A_318 = arith.constant 5 : index
    %get3A_319 = arith.constant 0 : index
    %get3A_320 = vector.load %arg3[%get3A_318, %get3A_319] : memref<8x8xi32, #tpu.memory_space<vmem>>, vector<1x8xi32>
    %transpose3A_321 = tpu.transpose %get3A_320, [1, 0] : vector<1x8xi32> -> vector<8x1xi32>
    %iota3A_322 = tpu.iota {dimensions = array<i32: 1>} : vector<8x128xi32>
    %eq3A_323 = vector.broadcast %transpose3A_321 : vector<8x1xi32> to vector<8x128xi32>
    %eq3A_324 = arith.cmpi eq, %iota3A_322, %eq3A_323 : vector<8x128xi32>
    %jit3A_325 = arith.constant 1.000000e+00 : f32
    %jit3A_326 = arith.constant 0.000000e+00 : f32
    %broadcast_in_dim3A_327 = vector.broadcast %jit3A_325 : f32 to vector<8x128xf32>
    %broadcast_in_dim3A_328 = vector.broadcast %jit3A_326 : f32 to vector<8x128xf32>
    %select_n3A_329 = arith.select %eq3A_324, %broadcast_in_dim3A_327, %broadcast_in_dim3A_328 : vector<8x128xi1>, vector<8x128xf32>
    %get3A_330 = arith.constant 5 : index
    %get3A_331 = arith.constant 0 : index
    %get3A_332 = arith.constant 0 : index
    %get3A_333 = arith.constant 0 : index
    %get3A_334 = vector.load %arg2[%get3A_330, %get3A_331, %get3A_332, %get3A_333] : memref<8x8x96x128xf32, #tpu.memory_space<vmem>>, vector<1x8x96x128xf32>
    %get3A_335 = vector.shape_cast %get3A_334 : vector<1x8x96x128xf32> to vector<8x96x128xf32>
    %broadcast_in_dim3A_336 = vector.shape_cast %select_n3A_329 : vector<8x128xf32> to vector<8x1x128xf32>
    %mul3A_337 = vector.broadcast %broadcast_in_dim3A_336 : vector<8x1x128xf32> to vector<8x96x128xf32>
    %mul3A_338 = arith.mulf %get3A_335, %mul3A_337 : vector<8x96x128xf32>
    %reduce_sum3A_339 = arith.constant dense<0.000000e+00> : vector<8x96xf32>
    %reduce_sum3A_340 = vector.multi_reduction <add>, %mul3A_338, %reduce_sum3A_339 [2] : vector<8x96x128xf32> to vector<8x96xf32>
    %mul3A_341 = arith.mulf %div3A_317, %div3A_317 : vector<8x96xf32>
    %reduce_sum3A_342 = arith.constant dense<0.000000e+00> : vector<8xf32>
    %reduce_sum3A_343 = vector.multi_reduction <add>, %mul3A_341, %reduce_sum3A_342 [1] : vector<8x96xf32> to vector<8xf32>
    %broadcast_in_dim3A_344 = vector.shape_cast %reduce_sum3A_343 : vector<8xf32> to vector<8x1xf32>
    %sqrt3A_345 = math.sqrt %broadcast_in_dim3A_344 : vector<8x1xf32>
    %mul3A_346 = arith.mulf %reduce_sum3A_340, %reduce_sum3A_340 : vector<8x96xf32>
    %reduce_sum3A_347 = arith.constant dense<0.000000e+00> : vector<8xf32>
    %reduce_sum3A_348 = vector.multi_reduction <add>, %mul3A_346, %reduce_sum3A_347 [1] : vector<8x96xf32> to vector<8xf32>
    %broadcast_in_dim3A_349 = vector.shape_cast %reduce_sum3A_348 : vector<8xf32> to vector<8x1xf32>
    %sqrt3A_350 = math.sqrt %broadcast_in_dim3A_349 : vector<8x1xf32>
    %dot_general3A_351 = arith.constant dense<0.000000e+00> : vector<8x8xf32>
    %dot_general3A_352 = tpu.matmul %reduce_sum3A_340, %div3A_317, %dot_general3A_351 {dimension_numbers = #tpu.dot_dimension_numbers<[1], [1], [0], [0], [0, 0, 1, 0], [], []>, transpose_lhs_hint = false} : vector<8x96xf32>, vector<8x96xf32>, vector<8x8xf32> -> vector<8x8xf32>
    %transpose3A_353 = tpu.transpose %sqrt3A_345, [1, 0] : vector<8x1xf32> -> vector<1x8xf32>
    %mul3A_354 = vector.broadcast %sqrt3A_350 : vector<8x1xf32> to vector<8x8xf32>
    %mul3A_355 = vector.broadcast %transpose3A_353 : vector<1x8xf32> to vector<8x8xf32>
    %mul3A_356 = arith.mulf %mul3A_354, %mul3A_355 : vector<8x8xf32>
    %max3A_357 = arith.constant 9.99999993E-9 : f32
    %max3A_358 = vector.broadcast %max3A_357 : f32 to vector<8x8xf32>
    %max3A_359 = arith.maximumf %mul3A_356, %max3A_358 : vector<8x8xf32>
    %div3A_360 = arith.divf %dot_general3A_352, %max3A_359 : vector<8x8xf32>
    %div3A_361 = arith.constant 2.000000e-01 : f32
    %div3A_362 = vector.broadcast %div3A_361 : f32 to vector<8x8xf32>
    %div3A_363 = arith.divf %div3A_360, %div3A_362 : vector<8x8xf32>
    %gt3A_364 = arith.constant 0.000000e+00 : f32
    %gt3A_365 = vector.broadcast %gt3A_364 : f32 to vector<1x8xf32>
    %gt3A_366 = arith.cmpf ogt, %get3A_306, %gt3A_365 : vector<1x8xf32>
    %get3A_367 = arith.constant 6 : index
    %get3A_368 = arith.constant 0 : index
    %get3A_369 = vector.load %arg1[%get3A_367, %get3A_368] : memref<8x8xf32, #tpu.memory_space<vmem>>, vector<1x8xf32>
    %transpose3A_370 = tpu.transpose %get3A_369, [1, 0] : vector<1x8xf32> -> vector<8x1xf32>
    %get3A_371 = arith.constant 6 : index
    %get3A_372 = arith.constant 0 : index
    %get3A_373 = arith.constant 0 : index
    %get3A_374 = vector.load %arg0[%get3A_371, %get3A_372, %get3A_373] : memref<8x8x96xf32, #tpu.memory_space<vmem>>, vector<1x8x96xf32>
    %get3A_375 = vector.shape_cast %get3A_374 : vector<1x8x96xf32> to vector<8x96xf32>
    %max3A_376 = arith.constant 1.000000e+00 : f32
    %max3A_377 = vector.broadcast %max3A_376 : f32 to vector<8x1xf32>
    %max3A_378 = arith.maximumf %transpose3A_370, %max3A_377 : vector<8x1xf32>
    %div3A_379 = vector.broadcast %max3A_378 : vector<8x1xf32> to vector<8x96xf32>
    %div3A_380 = arith.divf %get3A_375, %div3A_379 : vector<8x96xf32>
    %get3A_381 = arith.constant 6 : index
    %get3A_382 = arith.constant 0 : index
    %get3A_383 = vector.load %arg3[%get3A_381, %get3A_382] : memref<8x8xi32, #tpu.memory_space<vmem>>, vector<1x8xi32>
    %transpose3A_384 = tpu.transpose %get3A_383, [1, 0] : vector<1x8xi32> -> vector<8x1xi32>
    %iota3A_385 = tpu.iota {dimensions = array<i32: 1>} : vector<8x128xi32>
    %eq3A_386 = vector.broadcast %transpose3A_384 : vector<8x1xi32> to vector<8x128xi32>
    %eq3A_387 = arith.cmpi eq, %iota3A_385, %eq3A_386 : vector<8x128xi32>
    %jit3A_388 = arith.constant 1.000000e+00 : f32
    %jit3A_389 = arith.constant 0.000000e+00 : f32
    %broadcast_in_dim3A_390 = vector.broadcast %jit3A_388 : f32 to vector<8x128xf32>
    %broadcast_in_dim3A_391 = vector.broadcast %jit3A_389 : f32 to vector<8x128xf32>
    %select_n3A_392 = arith.select %eq3A_387, %broadcast_in_dim3A_390, %broadcast_in_dim3A_391 : vector<8x128xi1>, vector<8x128xf32>
    %get3A_393 = arith.constant 6 : index
    %get3A_394 = arith.constant 0 : index
    %get3A_395 = arith.constant 0 : index
    %get3A_396 = arith.constant 0 : index
    %get3A_397 = vector.load %arg2[%get3A_393, %get3A_394, %get3A_395, %get3A_396] : memref<8x8x96x128xf32, #tpu.memory_space<vmem>>, vector<1x8x96x128xf32>
    %get3A_398 = vector.shape_cast %get3A_397 : vector<1x8x96x128xf32> to vector<8x96x128xf32>
    %broadcast_in_dim3A_399 = vector.shape_cast %select_n3A_392 : vector<8x128xf32> to vector<8x1x128xf32>
    %mul3A_400 = vector.broadcast %broadcast_in_dim3A_399 : vector<8x1x128xf32> to vector<8x96x128xf32>
    %mul3A_401 = arith.mulf %get3A_398, %mul3A_400 : vector<8x96x128xf32>
    %reduce_sum3A_402 = arith.constant dense<0.000000e+00> : vector<8x96xf32>
    %reduce_sum3A_403 = vector.multi_reduction <add>, %mul3A_401, %reduce_sum3A_402 [2] : vector<8x96x128xf32> to vector<8x96xf32>
    %mul3A_404 = arith.mulf %div3A_380, %div3A_380 : vector<8x96xf32>
    %reduce_sum3A_405 = arith.constant dense<0.000000e+00> : vector<8xf32>
    %reduce_sum3A_406 = vector.multi_reduction <add>, %mul3A_404, %reduce_sum3A_405 [1] : vector<8x96xf32> to vector<8xf32>
    %broadcast_in_dim3A_407 = vector.shape_cast %reduce_sum3A_406 : vector<8xf32> to vector<8x1xf32>
    %sqrt3A_408 = math.sqrt %broadcast_in_dim3A_407 : vector<8x1xf32>
    %mul3A_409 = arith.mulf %reduce_sum3A_403, %reduce_sum3A_403 : vector<8x96xf32>
    %reduce_sum3A_410 = arith.constant dense<0.000000e+00> : vector<8xf32>
    %reduce_sum3A_411 = vector.multi_reduction <add>, %mul3A_409, %reduce_sum3A_410 [1] : vector<8x96xf32> to vector<8xf32>
    %broadcast_in_dim3A_412 = vector.shape_cast %reduce_sum3A_411 : vector<8xf32> to vector<8x1xf32>
    %sqrt3A_413 = math.sqrt %broadcast_in_dim3A_412 : vector<8x1xf32>
    %dot_general3A_414 = arith.constant dense<0.000000e+00> : vector<8x8xf32>
    %dot_general3A_415 = tpu.matmul %reduce_sum3A_403, %div3A_380, %dot_general3A_414 {dimension_numbers = #tpu.dot_dimension_numbers<[1], [1], [0], [0], [0, 0, 1, 0], [], []>, transpose_lhs_hint = false} : vector<8x96xf32>, vector<8x96xf32>, vector<8x8xf32> -> vector<8x8xf32>
    %transpose3A_416 = tpu.transpose %sqrt3A_408, [1, 0] : vector<8x1xf32> -> vector<1x8xf32>
    %mul3A_417 = vector.broadcast %sqrt3A_413 : vector<8x1xf32> to vector<8x8xf32>
    %mul3A_418 = vector.broadcast %transpose3A_416 : vector<1x8xf32> to vector<8x8xf32>
    %mul3A_419 = arith.mulf %mul3A_417, %mul3A_418 : vector<8x8xf32>
    %max3A_420 = arith.constant 9.99999993E-9 : f32
    %max3A_421 = vector.broadcast %max3A_420 : f32 to vector<8x8xf32>
    %max3A_422 = arith.maximumf %mul3A_419, %max3A_421 : vector<8x8xf32>
    %div3A_423 = arith.divf %dot_general3A_415, %max3A_422 : vector<8x8xf32>
    %div3A_424 = arith.constant 2.000000e-01 : f32
    %div3A_425 = vector.broadcast %div3A_424 : f32 to vector<8x8xf32>
    %div3A_426 = arith.divf %div3A_423, %div3A_425 : vector<8x8xf32>
    %gt3A_427 = arith.constant 0.000000e+00 : f32
    %gt3A_428 = vector.broadcast %gt3A_427 : f32 to vector<1x8xf32>
    %gt3A_429 = arith.cmpf ogt, %get3A_369, %gt3A_428 : vector<1x8xf32>
    %get3A_430 = arith.constant 7 : index
    %get3A_431 = arith.constant 0 : index
    %get3A_432 = vector.load %arg1[%get3A_430, %get3A_431] : memref<8x8xf32, #tpu.memory_space<vmem>>, vector<1x8xf32>
    %transpose3A_433 = tpu.transpose %get3A_432, [1, 0] : vector<1x8xf32> -> vector<8x1xf32>
    %get3A_434 = arith.constant 7 : index
    %get3A_435 = arith.constant 0 : index
    %get3A_436 = arith.constant 0 : index
    %get3A_437 = vector.load %arg0[%get3A_434, %get3A_435, %get3A_436] : memref<8x8x96xf32, #tpu.memory_space<vmem>>, vector<1x8x96xf32>
    %get3A_438 = vector.shape_cast %get3A_437 : vector<1x8x96xf32> to vector<8x96xf32>
    %max3A_439 = arith.constant 1.000000e+00 : f32
    %max3A_440 = vector.broadcast %max3A_439 : f32 to vector<8x1xf32>
    %max3A_441 = arith.maximumf %transpose3A_433, %max3A_440 : vector<8x1xf32>
    %div3A_442 = vector.broadcast %max3A_441 : vector<8x1xf32> to vector<8x96xf32>
    %div3A_443 = arith.divf %get3A_438, %div3A_442 : vector<8x96xf32>
    %get3A_444 = arith.constant 7 : index
    %get3A_445 = arith.constant 0 : index
    %get3A_446 = vector.load %arg3[%get3A_444, %get3A_445] : memref<8x8xi32, #tpu.memory_space<vmem>>, vector<1x8xi32>
    %transpose3A_447 = tpu.transpose %get3A_446, [1, 0] : vector<1x8xi32> -> vector<8x1xi32>
    %iota3A_448 = tpu.iota {dimensions = array<i32: 1>} : vector<8x128xi32>
    %eq3A_449 = vector.broadcast %transpose3A_447 : vector<8x1xi32> to vector<8x128xi32>
    %eq3A_450 = arith.cmpi eq, %iota3A_448, %eq3A_449 : vector<8x128xi32>
    %jit3A_451 = arith.constant 1.000000e+00 : f32
    %jit3A_452 = arith.constant 0.000000e+00 : f32
    %broadcast_in_dim3A_453 = vector.broadcast %jit3A_451 : f32 to vector<8x128xf32>
    %broadcast_in_dim3A_454 = vector.broadcast %jit3A_452 : f32 to vector<8x128xf32>
    %select_n3A_455 = arith.select %eq3A_450, %broadcast_in_dim3A_453, %broadcast_in_dim3A_454 : vector<8x128xi1>, vector<8x128xf32>
    %get3A_456 = arith.constant 7 : index
    %get3A_457 = arith.constant 0 : index
    %get3A_458 = arith.constant 0 : index
    %get3A_459 = arith.constant 0 : index
    %get3A_460 = vector.load %arg2[%get3A_456, %get3A_457, %get3A_458, %get3A_459] : memref<8x8x96x128xf32, #tpu.memory_space<vmem>>, vector<1x8x96x128xf32>
    %get3A_461 = vector.shape_cast %get3A_460 : vector<1x8x96x128xf32> to vector<8x96x128xf32>
    %broadcast_in_dim3A_462 = vector.shape_cast %select_n3A_455 : vector<8x128xf32> to vector<8x1x128xf32>
    %mul3A_463 = vector.broadcast %broadcast_in_dim3A_462 : vector<8x1x128xf32> to vector<8x96x128xf32>
    %mul3A_464 = arith.mulf %get3A_461, %mul3A_463 : vector<8x96x128xf32>
    %reduce_sum3A_465 = arith.constant dense<0.000000e+00> : vector<8x96xf32>
    %reduce_sum3A_466 = vector.multi_reduction <add>, %mul3A_464, %reduce_sum3A_465 [2] : vector<8x96x128xf32> to vector<8x96xf32>
    %mul3A_467 = arith.mulf %div3A_443, %div3A_443 : vector<8x96xf32>
    %reduce_sum3A_468 = arith.constant dense<0.000000e+00> : vector<8xf32>
    %reduce_sum3A_469 = vector.multi_reduction <add>, %mul3A_467, %reduce_sum3A_468 [1] : vector<8x96xf32> to vector<8xf32>
    %broadcast_in_dim3A_470 = vector.shape_cast %reduce_sum3A_469 : vector<8xf32> to vector<8x1xf32>
    %sqrt3A_471 = math.sqrt %broadcast_in_dim3A_470 : vector<8x1xf32>
    %mul3A_472 = arith.mulf %reduce_sum3A_466, %reduce_sum3A_466 : vector<8x96xf32>
    %reduce_sum3A_473 = arith.constant dense<0.000000e+00> : vector<8xf32>
    %reduce_sum3A_474 = vector.multi_reduction <add>, %mul3A_472, %reduce_sum3A_473 [1] : vector<8x96xf32> to vector<8xf32>
    %broadcast_in_dim3A_475 = vector.shape_cast %reduce_sum3A_474 : vector<8xf32> to vector<8x1xf32>
    %sqrt3A_476 = math.sqrt %broadcast_in_dim3A_475 : vector<8x1xf32>
    %dot_general3A_477 = arith.constant dense<0.000000e+00> : vector<8x8xf32>
    %dot_general3A_478 = tpu.matmul %reduce_sum3A_466, %div3A_443, %dot_general3A_477 {dimension_numbers = #tpu.dot_dimension_numbers<[1], [1], [0], [0], [0, 0, 1, 0], [], []>, transpose_lhs_hint = false} : vector<8x96xf32>, vector<8x96xf32>, vector<8x8xf32> -> vector<8x8xf32>
    %transpose3A_479 = tpu.transpose %sqrt3A_471, [1, 0] : vector<8x1xf32> -> vector<1x8xf32>
    %mul3A_480 = vector.broadcast %sqrt3A_476 : vector<8x1xf32> to vector<8x8xf32>
    %mul3A_481 = vector.broadcast %transpose3A_479 : vector<1x8xf32> to vector<8x8xf32>
    %mul3A_482 = arith.mulf %mul3A_480, %mul3A_481 : vector<8x8xf32>
    %max3A_483 = arith.constant 9.99999993E-9 : f32
    %max3A_484 = vector.broadcast %max3A_483 : f32 to vector<8x8xf32>
    %max3A_485 = arith.maximumf %mul3A_482, %max3A_484 : vector<8x8xf32>
    %div3A_486 = arith.divf %dot_general3A_478, %max3A_485 : vector<8x8xf32>
    %div3A_487 = arith.constant 2.000000e-01 : f32
    %div3A_488 = vector.broadcast %div3A_487 : f32 to vector<8x8xf32>
    %div3A_489 = arith.divf %div3A_486, %div3A_488 : vector<8x8xf32>
    %gt3A_490 = arith.constant 0.000000e+00 : f32
    %gt3A_491 = vector.broadcast %gt3A_490 : f32 to vector<1x8xf32>
    %gt3A_492 = arith.cmpf ogt, %get3A_432, %gt3A_491 : vector<1x8xf32>
    %jit3A_493 = arith.constant 0.000000e+00 : f32
    %broadcast_in_dim3A_494 = vector.broadcast %jit3A_493 : f32 to vector<8x8xf32>
    %select_n3A_495 = arith.select %eq3A, %div3A_49, %broadcast_in_dim3A_494 : vector<8x8xi1>, vector<8x8xf32>
    %reduce_sum3A_496 = arith.constant dense<0.000000e+00> : vector<8xf32>
    %reduce_sum3A_497 = vector.multi_reduction <add>, %select_n3A_495, %reduce_sum3A_496 [1] : vector<8x8xf32> to vector<8xf32>
    %broadcast_in_dim3A_498 = vector.shape_cast %reduce_sum3A_497 : vector<8xf32> to vector<8x1xf32>
    %or3A = vector.broadcast %gt3A_51 : vector<1x8xi1> to vector<8x8xi1>
    %or3A_499 = arith.ori %eq3A, %or3A : vector<8x8xi1>
    %jit3A_500 = arith.constant -1.000000e+30 : f32
    %broadcast_in_dim3A_501 = vector.broadcast %jit3A_500 : f32 to vector<8x8xf32>
    %select_n3A_502 = arith.select %or3A_499, %div3A_49, %broadcast_in_dim3A_501 : vector<8x8xi1>, vector<8x8xf32>
    %reduce_max3A = arith.constant dense<0xFF800000> : vector<8xf32>
    %reduce_max3A_503 = vector.multi_reduction <maximumf>, %select_n3A_502, %reduce_max3A [1] : vector<8x8xf32> to vector<8xf32>
    %broadcast_in_dim3A_504 = vector.shape_cast %reduce_max3A_503 : vector<8xf32> to vector<8x1xf32>
    %sub3A = vector.broadcast %broadcast_in_dim3A_504 : vector<8x1xf32> to vector<8x8xf32>
    %sub3A_505 = arith.subf %select_n3A_502, %sub3A : vector<8x8xf32>
    %exp3A = math.exp %sub3A_505 : vector<8x8xf32>
    %reduce_sum3A_506 = arith.constant dense<0.000000e+00> : vector<8xf32>
    %reduce_sum3A_507 = vector.multi_reduction <add>, %exp3A, %reduce_sum3A_506 [1] : vector<8x8xf32> to vector<8xf32>
    %broadcast_in_dim3A_508 = vector.shape_cast %reduce_sum3A_507 : vector<8xf32> to vector<8x1xf32>
    %log3A = math.log %broadcast_in_dim3A_508 : vector<8x1xf32>
    %add3A = arith.addf %broadcast_in_dim3A_504, %log3A : vector<8x1xf32>
    %not3A = arith.constant dense<true> : vector<8x8xi1>
    %not3A_509 = arith.xori %eq3A, %not3A : vector<8x8xi1>
    %and3A = vector.broadcast %gt3A_51 : vector<1x8xi1> to vector<8x8xi1>
    %and3A_510 = arith.andi %not3A_509, %and3A : vector<8x8xi1>
    %jit3A_511 = arith.constant 1.000000e+00 : f32
    %jit3A_512 = arith.constant 0.000000e+00 : f32
    %broadcast_in_dim3A_513 = vector.broadcast %jit3A_511 : f32 to vector<8x8xf32>
    %broadcast_in_dim3A_514 = vector.broadcast %jit3A_512 : f32 to vector<8x8xf32>
    %select_n3A_515 = arith.select %and3A_510, %broadcast_in_dim3A_513, %broadcast_in_dim3A_514 : vector<8x8xi1>, vector<8x8xf32>
    %reduce_sum3A_516 = arith.constant dense<0.000000e+00> : vector<8xf32>
    %reduce_sum3A_517 = vector.multi_reduction <add>, %select_n3A_515, %reduce_sum3A_516 [1] : vector<8x8xf32> to vector<8xf32>
    %broadcast_in_dim3A_518 = vector.shape_cast %reduce_sum3A_517 : vector<8xf32> to vector<8x1xf32>
    %gt3A_519 = arith.constant 0.000000e+00 : f32
    %gt3A_520 = vector.broadcast %gt3A_519 : f32 to vector<8x1xf32>
    %gt3A_521 = arith.cmpf ogt, %broadcast_in_dim3A_518, %gt3A_520 : vector<8x1xf32>
    %add3A_522 = arith.constant 0.313261688 : f32
    %add3A_523 = vector.broadcast %add3A_522 : f32 to vector<8x1xf32>
    %add3A_524 = arith.addf %broadcast_in_dim3A_498, %add3A_523 : vector<8x1xf32>
    %select_n3A_525 = arith.select %gt3A_521, %add3A, %add3A_524 : vector<8x1xi1>, vector<8x1xf32>
    %sub3A_526 = arith.subf %select_n3A_525, %broadcast_in_dim3A_498 : vector<8x1xf32>
    %jit3A_527 = arith.constant 0.000000e+00 : f32
    %broadcast_in_dim3A_528 = vector.broadcast %jit3A_527 : f32 to vector<8x8xf32>
    %select_n3A_529 = arith.select %eq3A, %div3A_300, %broadcast_in_dim3A_528 : vector<8x8xi1>, vector<8x8xf32>
    %reduce_sum3A_530 = arith.constant dense<0.000000e+00> : vector<8xf32>
    %reduce_sum3A_531 = vector.multi_reduction <add>, %select_n3A_529, %reduce_sum3A_530 [1] : vector<8x8xf32> to vector<8xf32>
    %broadcast_in_dim3A_532 = vector.shape_cast %reduce_sum3A_531 : vector<8xf32> to vector<8x1xf32>
    %or3A_533 = vector.broadcast %gt3A_303 : vector<1x8xi1> to vector<8x8xi1>
    %or3A_534 = arith.ori %eq3A, %or3A_533 : vector<8x8xi1>
    %jit3A_535 = arith.constant -1.000000e+30 : f32
    %broadcast_in_dim3A_536 = vector.broadcast %jit3A_535 : f32 to vector<8x8xf32>
    %select_n3A_537 = arith.select %or3A_534, %div3A_300, %broadcast_in_dim3A_536 : vector<8x8xi1>, vector<8x8xf32>
    %reduce_max3A_538 = arith.constant dense<0xFF800000> : vector<8xf32>
    %reduce_max3A_539 = vector.multi_reduction <maximumf>, %select_n3A_537, %reduce_max3A_538 [1] : vector<8x8xf32> to vector<8xf32>
    %broadcast_in_dim3A_540 = vector.shape_cast %reduce_max3A_539 : vector<8xf32> to vector<8x1xf32>
    %sub3A_541 = vector.broadcast %broadcast_in_dim3A_540 : vector<8x1xf32> to vector<8x8xf32>
    %sub3A_542 = arith.subf %select_n3A_537, %sub3A_541 : vector<8x8xf32>
    %exp3A_543 = math.exp %sub3A_542 : vector<8x8xf32>
    %reduce_sum3A_544 = arith.constant dense<0.000000e+00> : vector<8xf32>
    %reduce_sum3A_545 = vector.multi_reduction <add>, %exp3A_543, %reduce_sum3A_544 [1] : vector<8x8xf32> to vector<8xf32>
    %broadcast_in_dim3A_546 = vector.shape_cast %reduce_sum3A_545 : vector<8xf32> to vector<8x1xf32>
    %log3A_547 = math.log %broadcast_in_dim3A_546 : vector<8x1xf32>
    %add3A_548 = arith.addf %broadcast_in_dim3A_540, %log3A_547 : vector<8x1xf32>
    %not3A_549 = arith.constant dense<true> : vector<8x8xi1>
    %not3A_550 = arith.xori %eq3A, %not3A_549 : vector<8x8xi1>
    %and3A_551 = vector.broadcast %gt3A_303 : vector<1x8xi1> to vector<8x8xi1>
    %and3A_552 = arith.andi %not3A_550, %and3A_551 : vector<8x8xi1>
    %jit3A_553 = arith.constant 1.000000e+00 : f32
    %jit3A_554 = arith.constant 0.000000e+00 : f32
    %broadcast_in_dim3A_555 = vector.broadcast %jit3A_553 : f32 to vector<8x8xf32>
    %broadcast_in_dim3A_556 = vector.broadcast %jit3A_554 : f32 to vector<8x8xf32>
    %select_n3A_557 = arith.select %and3A_552, %broadcast_in_dim3A_555, %broadcast_in_dim3A_556 : vector<8x8xi1>, vector<8x8xf32>
    %reduce_sum3A_558 = arith.constant dense<0.000000e+00> : vector<8xf32>
    %reduce_sum3A_559 = vector.multi_reduction <add>, %select_n3A_557, %reduce_sum3A_558 [1] : vector<8x8xf32> to vector<8xf32>
    %broadcast_in_dim3A_560 = vector.shape_cast %reduce_sum3A_559 : vector<8xf32> to vector<8x1xf32>
    %gt3A_561 = arith.constant 0.000000e+00 : f32
    %gt3A_562 = vector.broadcast %gt3A_561 : f32 to vector<8x1xf32>
    %gt3A_563 = arith.cmpf ogt, %broadcast_in_dim3A_560, %gt3A_562 : vector<8x1xf32>
    %add3A_564 = arith.constant 0.313261688 : f32
    %add3A_565 = vector.broadcast %add3A_564 : f32 to vector<8x1xf32>
    %add3A_566 = arith.addf %broadcast_in_dim3A_532, %add3A_565 : vector<8x1xf32>
    %select_n3A_567 = arith.select %gt3A_563, %add3A_548, %add3A_566 : vector<8x1xi1>, vector<8x1xf32>
    %sub3A_568 = arith.subf %select_n3A_567, %broadcast_in_dim3A_532 : vector<8x1xf32>
    %get3A_569 = arith.constant 0 : index
    %get3A_570 = arith.constant 0 : index
    %get3A_571 = vector.load %arg4[%get3A_569, %get3A_570] : memref<4x8xf32, #tpu.memory_space<vmem>>, vector<1x8xf32>
    %transpose3A_572 = tpu.transpose %get3A_571, [1, 0] : vector<1x8xf32> -> vector<8x1xf32>
    %mul3A_573 = arith.constant 5.000000e-01 : f32
    %mul3A_574 = vector.broadcast %mul3A_573 : f32 to vector<8x1xf32>
    %mul3A_575 = arith.mulf %transpose3A_572, %mul3A_574 : vector<8x1xf32>
    %add3A_576 = arith.addf %sub3A_526, %sub3A_568 : vector<8x1xf32>
    %mul3A_577 = arith.mulf %mul3A_575, %add3A_576 : vector<8x1xf32>
    %reduce_sum3A_578 = vector.shape_cast %mul3A_577 : vector<8x1xf32> to vector<1x8x1xf32>
    %reduce_sum3A_579 = arith.constant dense<0.000000e+00> : vector<1xf32>
    %reduce_sum3A_580 = vector.multi_reduction <add>, %reduce_sum3A_578, %reduce_sum3A_579 [1, 2] : vector<1x8x1xf32> to vector<1xf32>
    %reduce_sum3A_581 = vector.shape_cast %reduce_sum3A_580 : vector<1xf32> to vector<1x1x1xf32>
    %reduce_sum3A_582 = vector.extract %reduce_sum3A_581[0, 0, 0] : f32 from vector<1x1x1xf32>
    %add3A_583 = arith.constant 0.000000e+00 : f32
    %add3A_584 = arith.addf %add3A_583, %reduce_sum3A_582 : f32
    %reduce_sum3A_585 = vector.shape_cast %get3A_571 : vector<1x8xf32> to vector<1x1x8xf32>
    %reduce_sum3A_586 = arith.constant dense<0.000000e+00> : vector<1xf32>
    %reduce_sum3A_587 = vector.multi_reduction <add>, %reduce_sum3A_585, %reduce_sum3A_586 [1, 2] : vector<1x1x8xf32> to vector<1xf32>
    %reduce_sum3A_588 = vector.shape_cast %reduce_sum3A_587 : vector<1xf32> to vector<1x1x1xf32>
    %reduce_sum3A_589 = vector.extract %reduce_sum3A_588[0, 0, 0] : f32 from vector<1x1x1xf32>
    %add3A_590 = arith.constant 0.000000e+00 : f32
    %add3A_591 = arith.addf %add3A_590, %reduce_sum3A_589 : f32
    %jit3A_592 = arith.constant 0.000000e+00 : f32
    %broadcast_in_dim3A_593 = vector.broadcast %jit3A_592 : f32 to vector<8x8xf32>
    %select_n3A_594 = arith.select %eq3A, %div3A_111, %broadcast_in_dim3A_593 : vector<8x8xi1>, vector<8x8xf32>
    %reduce_sum3A_595 = arith.constant dense<0.000000e+00> : vector<8xf32>
    %reduce_sum3A_596 = vector.multi_reduction <add>, %select_n3A_594, %reduce_sum3A_595 [1] : vector<8x8xf32> to vector<8xf32>
    %broadcast_in_dim3A_597 = vector.shape_cast %reduce_sum3A_596 : vector<8xf32> to vector<8x1xf32>
    %or3A_598 = vector.broadcast %gt3A_114 : vector<1x8xi1> to vector<8x8xi1>
    %or3A_599 = arith.ori %eq3A, %or3A_598 : vector<8x8xi1>
    %jit3A_600 = arith.constant -1.000000e+30 : f32
    %broadcast_in_dim3A_601 = vector.broadcast %jit3A_600 : f32 to vector<8x8xf32>
    %select_n3A_602 = arith.select %or3A_599, %div3A_111, %broadcast_in_dim3A_601 : vector<8x8xi1>, vector<8x8xf32>
    %reduce_max3A_603 = arith.constant dense<0xFF800000> : vector<8xf32>
    %reduce_max3A_604 = vector.multi_reduction <maximumf>, %select_n3A_602, %reduce_max3A_603 [1] : vector<8x8xf32> to vector<8xf32>
    %broadcast_in_dim3A_605 = vector.shape_cast %reduce_max3A_604 : vector<8xf32> to vector<8x1xf32>
    %sub3A_606 = vector.broadcast %broadcast_in_dim3A_605 : vector<8x1xf32> to vector<8x8xf32>
    %sub3A_607 = arith.subf %select_n3A_602, %sub3A_606 : vector<8x8xf32>
    %exp3A_608 = math.exp %sub3A_607 : vector<8x8xf32>
    %reduce_sum3A_609 = arith.constant dense<0.000000e+00> : vector<8xf32>
    %reduce_sum3A_610 = vector.multi_reduction <add>, %exp3A_608, %reduce_sum3A_609 [1] : vector<8x8xf32> to vector<8xf32>
    %broadcast_in_dim3A_611 = vector.shape_cast %reduce_sum3A_610 : vector<8xf32> to vector<8x1xf32>
    %log3A_612 = math.log %broadcast_in_dim3A_611 : vector<8x1xf32>
    %add3A_613 = arith.addf %broadcast_in_dim3A_605, %log3A_612 : vector<8x1xf32>
    %not3A_614 = arith.constant dense<true> : vector<8x8xi1>
    %not3A_615 = arith.xori %eq3A, %not3A_614 : vector<8x8xi1>
    %and3A_616 = vector.broadcast %gt3A_114 : vector<1x8xi1> to vector<8x8xi1>
    %and3A_617 = arith.andi %not3A_615, %and3A_616 : vector<8x8xi1>
    %jit3A_618 = arith.constant 1.000000e+00 : f32
    %jit3A_619 = arith.constant 0.000000e+00 : f32
    %broadcast_in_dim3A_620 = vector.broadcast %jit3A_618 : f32 to vector<8x8xf32>
    %broadcast_in_dim3A_621 = vector.broadcast %jit3A_619 : f32 to vector<8x8xf32>
    %select_n3A_622 = arith.select %and3A_617, %broadcast_in_dim3A_620, %broadcast_in_dim3A_621 : vector<8x8xi1>, vector<8x8xf32>
    %reduce_sum3A_623 = arith.constant dense<0.000000e+00> : vector<8xf32>
    %reduce_sum3A_624 = vector.multi_reduction <add>, %select_n3A_622, %reduce_sum3A_623 [1] : vector<8x8xf32> to vector<8xf32>
    %broadcast_in_dim3A_625 = vector.shape_cast %reduce_sum3A_624 : vector<8xf32> to vector<8x1xf32>
    %gt3A_626 = arith.constant 0.000000e+00 : f32
    %gt3A_627 = vector.broadcast %gt3A_626 : f32 to vector<8x1xf32>
    %gt3A_628 = arith.cmpf ogt, %broadcast_in_dim3A_625, %gt3A_627 : vector<8x1xf32>
    %add3A_629 = arith.constant 0.313261688 : f32
    %add3A_630 = vector.broadcast %add3A_629 : f32 to vector<8x1xf32>
    %add3A_631 = arith.addf %broadcast_in_dim3A_597, %add3A_630 : vector<8x1xf32>
    %select_n3A_632 = arith.select %gt3A_628, %add3A_613, %add3A_631 : vector<8x1xi1>, vector<8x1xf32>
    %sub3A_633 = arith.subf %select_n3A_632, %broadcast_in_dim3A_597 : vector<8x1xf32>
    %jit3A_634 = arith.constant 0.000000e+00 : f32
    %broadcast_in_dim3A_635 = vector.broadcast %jit3A_634 : f32 to vector<8x8xf32>
    %select_n3A_636 = arith.select %eq3A, %div3A_363, %broadcast_in_dim3A_635 : vector<8x8xi1>, vector<8x8xf32>
    %reduce_sum3A_637 = arith.constant dense<0.000000e+00> : vector<8xf32>
    %reduce_sum3A_638 = vector.multi_reduction <add>, %select_n3A_636, %reduce_sum3A_637 [1] : vector<8x8xf32> to vector<8xf32>
    %broadcast_in_dim3A_639 = vector.shape_cast %reduce_sum3A_638 : vector<8xf32> to vector<8x1xf32>
    %or3A_640 = vector.broadcast %gt3A_366 : vector<1x8xi1> to vector<8x8xi1>
    %or3A_641 = arith.ori %eq3A, %or3A_640 : vector<8x8xi1>
    %jit3A_642 = arith.constant -1.000000e+30 : f32
    %broadcast_in_dim3A_643 = vector.broadcast %jit3A_642 : f32 to vector<8x8xf32>
    %select_n3A_644 = arith.select %or3A_641, %div3A_363, %broadcast_in_dim3A_643 : vector<8x8xi1>, vector<8x8xf32>
    %reduce_max3A_645 = arith.constant dense<0xFF800000> : vector<8xf32>
    %reduce_max3A_646 = vector.multi_reduction <maximumf>, %select_n3A_644, %reduce_max3A_645 [1] : vector<8x8xf32> to vector<8xf32>
    %broadcast_in_dim3A_647 = vector.shape_cast %reduce_max3A_646 : vector<8xf32> to vector<8x1xf32>
    %sub3A_648 = vector.broadcast %broadcast_in_dim3A_647 : vector<8x1xf32> to vector<8x8xf32>
    %sub3A_649 = arith.subf %select_n3A_644, %sub3A_648 : vector<8x8xf32>
    %exp3A_650 = math.exp %sub3A_649 : vector<8x8xf32>
    %reduce_sum3A_651 = arith.constant dense<0.000000e+00> : vector<8xf32>
    %reduce_sum3A_652 = vector.multi_reduction <add>, %exp3A_650, %reduce_sum3A_651 [1] : vector<8x8xf32> to vector<8xf32>
    %broadcast_in_dim3A_653 = vector.shape_cast %reduce_sum3A_652 : vector<8xf32> to vector<8x1xf32>
    %log3A_654 = math.log %broadcast_in_dim3A_653 : vector<8x1xf32>
    %add3A_655 = arith.addf %broadcast_in_dim3A_647, %log3A_654 : vector<8x1xf32>
    %not3A_656 = arith.constant dense<true> : vector<8x8xi1>
    %not3A_657 = arith.xori %eq3A, %not3A_656 : vector<8x8xi1>
    %and3A_658 = vector.broadcast %gt3A_366 : vector<1x8xi1> to vector<8x8xi1>
    %and3A_659 = arith.andi %not3A_657, %and3A_658 : vector<8x8xi1>
    %jit3A_660 = arith.constant 1.000000e+00 : f32
    %jit3A_661 = arith.constant 0.000000e+00 : f32
    %broadcast_in_dim3A_662 = vector.broadcast %jit3A_660 : f32 to vector<8x8xf32>
    %broadcast_in_dim3A_663 = vector.broadcast %jit3A_661 : f32 to vector<8x8xf32>
    %select_n3A_664 = arith.select %and3A_659, %broadcast_in_dim3A_662, %broadcast_in_dim3A_663 : vector<8x8xi1>, vector<8x8xf32>
    %reduce_sum3A_665 = arith.constant dense<0.000000e+00> : vector<8xf32>
    %reduce_sum3A_666 = vector.multi_reduction <add>, %select_n3A_664, %reduce_sum3A_665 [1] : vector<8x8xf32> to vector<8xf32>
    %broadcast_in_dim3A_667 = vector.shape_cast %reduce_sum3A_666 : vector<8xf32> to vector<8x1xf32>
    %gt3A_668 = arith.constant 0.000000e+00 : f32
    %gt3A_669 = vector.broadcast %gt3A_668 : f32 to vector<8x1xf32>
    %gt3A_670 = arith.cmpf ogt, %broadcast_in_dim3A_667, %gt3A_669 : vector<8x1xf32>
    %add3A_671 = arith.constant 0.313261688 : f32
    %add3A_672 = vector.broadcast %add3A_671 : f32 to vector<8x1xf32>
    %add3A_673 = arith.addf %broadcast_in_dim3A_639, %add3A_672 : vector<8x1xf32>
    %select_n3A_674 = arith.select %gt3A_670, %add3A_655, %add3A_673 : vector<8x1xi1>, vector<8x1xf32>
    %sub3A_675 = arith.subf %select_n3A_674, %broadcast_in_dim3A_639 : vector<8x1xf32>
    %get3A_676 = arith.constant 1 : index
    %get3A_677 = arith.constant 0 : index
    %get3A_678 = vector.load %arg4[%get3A_676, %get3A_677] : memref<4x8xf32, #tpu.memory_space<vmem>>, vector<1x8xf32>
    %transpose3A_679 = tpu.transpose %get3A_678, [1, 0] : vector<1x8xf32> -> vector<8x1xf32>
    %mul3A_680 = arith.constant 5.000000e-01 : f32
    %mul3A_681 = vector.broadcast %mul3A_680 : f32 to vector<8x1xf32>
    %mul3A_682 = arith.mulf %transpose3A_679, %mul3A_681 : vector<8x1xf32>
    %add3A_683 = arith.addf %sub3A_633, %sub3A_675 : vector<8x1xf32>
    %mul3A_684 = arith.mulf %mul3A_682, %add3A_683 : vector<8x1xf32>
    %reduce_sum3A_685 = vector.shape_cast %mul3A_684 : vector<8x1xf32> to vector<1x8x1xf32>
    %reduce_sum3A_686 = arith.constant dense<0.000000e+00> : vector<1xf32>
    %reduce_sum3A_687 = vector.multi_reduction <add>, %reduce_sum3A_685, %reduce_sum3A_686 [1, 2] : vector<1x8x1xf32> to vector<1xf32>
    %reduce_sum3A_688 = vector.shape_cast %reduce_sum3A_687 : vector<1xf32> to vector<1x1x1xf32>
    %reduce_sum3A_689 = vector.extract %reduce_sum3A_688[0, 0, 0] : f32 from vector<1x1x1xf32>
    %add3A_690 = arith.addf %add3A_584, %reduce_sum3A_689 : f32
    %reduce_sum3A_691 = vector.shape_cast %get3A_678 : vector<1x8xf32> to vector<1x1x8xf32>
    %reduce_sum3A_692 = arith.constant dense<0.000000e+00> : vector<1xf32>
    %reduce_sum3A_693 = vector.multi_reduction <add>, %reduce_sum3A_691, %reduce_sum3A_692 [1, 2] : vector<1x1x8xf32> to vector<1xf32>
    %reduce_sum3A_694 = vector.shape_cast %reduce_sum3A_693 : vector<1xf32> to vector<1x1x1xf32>
    %reduce_sum3A_695 = vector.extract %reduce_sum3A_694[0, 0, 0] : f32 from vector<1x1x1xf32>
    %add3A_696 = arith.addf %add3A_591, %reduce_sum3A_695 : f32
    %jit3A_697 = arith.constant 0.000000e+00 : f32
    %broadcast_in_dim3A_698 = vector.broadcast %jit3A_697 : f32 to vector<8x8xf32>
    %select_n3A_699 = arith.select %eq3A, %div3A_174, %broadcast_in_dim3A_698 : vector<8x8xi1>, vector<8x8xf32>
    %reduce_sum3A_700 = arith.constant dense<0.000000e+00> : vector<8xf32>
    %reduce_sum3A_701 = vector.multi_reduction <add>, %select_n3A_699, %reduce_sum3A_700 [1] : vector<8x8xf32> to vector<8xf32>
    %broadcast_in_dim3A_702 = vector.shape_cast %reduce_sum3A_701 : vector<8xf32> to vector<8x1xf32>
    %or3A_703 = vector.broadcast %gt3A_177 : vector<1x8xi1> to vector<8x8xi1>
    %or3A_704 = arith.ori %eq3A, %or3A_703 : vector<8x8xi1>
    %jit3A_705 = arith.constant -1.000000e+30 : f32
    %broadcast_in_dim3A_706 = vector.broadcast %jit3A_705 : f32 to vector<8x8xf32>
    %select_n3A_707 = arith.select %or3A_704, %div3A_174, %broadcast_in_dim3A_706 : vector<8x8xi1>, vector<8x8xf32>
    %reduce_max3A_708 = arith.constant dense<0xFF800000> : vector<8xf32>
    %reduce_max3A_709 = vector.multi_reduction <maximumf>, %select_n3A_707, %reduce_max3A_708 [1] : vector<8x8xf32> to vector<8xf32>
    %broadcast_in_dim3A_710 = vector.shape_cast %reduce_max3A_709 : vector<8xf32> to vector<8x1xf32>
    %sub3A_711 = vector.broadcast %broadcast_in_dim3A_710 : vector<8x1xf32> to vector<8x8xf32>
    %sub3A_712 = arith.subf %select_n3A_707, %sub3A_711 : vector<8x8xf32>
    %exp3A_713 = math.exp %sub3A_712 : vector<8x8xf32>
    %reduce_sum3A_714 = arith.constant dense<0.000000e+00> : vector<8xf32>
    %reduce_sum3A_715 = vector.multi_reduction <add>, %exp3A_713, %reduce_sum3A_714 [1] : vector<8x8xf32> to vector<8xf32>
    %broadcast_in_dim3A_716 = vector.shape_cast %reduce_sum3A_715 : vector<8xf32> to vector<8x1xf32>
    %log3A_717 = math.log %broadcast_in_dim3A_716 : vector<8x1xf32>
    %add3A_718 = arith.addf %broadcast_in_dim3A_710, %log3A_717 : vector<8x1xf32>
    %not3A_719 = arith.constant dense<true> : vector<8x8xi1>
    %not3A_720 = arith.xori %eq3A, %not3A_719 : vector<8x8xi1>
    %and3A_721 = vector.broadcast %gt3A_177 : vector<1x8xi1> to vector<8x8xi1>
    %and3A_722 = arith.andi %not3A_720, %and3A_721 : vector<8x8xi1>
    %jit3A_723 = arith.constant 1.000000e+00 : f32
    %jit3A_724 = arith.constant 0.000000e+00 : f32
    %broadcast_in_dim3A_725 = vector.broadcast %jit3A_723 : f32 to vector<8x8xf32>
    %broadcast_in_dim3A_726 = vector.broadcast %jit3A_724 : f32 to vector<8x8xf32>
    %select_n3A_727 = arith.select %and3A_722, %broadcast_in_dim3A_725, %broadcast_in_dim3A_726 : vector<8x8xi1>, vector<8x8xf32>
    %reduce_sum3A_728 = arith.constant dense<0.000000e+00> : vector<8xf32>
    %reduce_sum3A_729 = vector.multi_reduction <add>, %select_n3A_727, %reduce_sum3A_728 [1] : vector<8x8xf32> to vector<8xf32>
    %broadcast_in_dim3A_730 = vector.shape_cast %reduce_sum3A_729 : vector<8xf32> to vector<8x1xf32>
    %gt3A_731 = arith.constant 0.000000e+00 : f32
    %gt3A_732 = vector.broadcast %gt3A_731 : f32 to vector<8x1xf32>
    %gt3A_733 = arith.cmpf ogt, %broadcast_in_dim3A_730, %gt3A_732 : vector<8x1xf32>
    %add3A_734 = arith.constant 0.313261688 : f32
    %add3A_735 = vector.broadcast %add3A_734 : f32 to vector<8x1xf32>
    %add3A_736 = arith.addf %broadcast_in_dim3A_702, %add3A_735 : vector<8x1xf32>
    %select_n3A_737 = arith.select %gt3A_733, %add3A_718, %add3A_736 : vector<8x1xi1>, vector<8x1xf32>
    %sub3A_738 = arith.subf %select_n3A_737, %broadcast_in_dim3A_702 : vector<8x1xf32>
    %jit3A_739 = arith.constant 0.000000e+00 : f32
    %broadcast_in_dim3A_740 = vector.broadcast %jit3A_739 : f32 to vector<8x8xf32>
    %select_n3A_741 = arith.select %eq3A, %div3A_426, %broadcast_in_dim3A_740 : vector<8x8xi1>, vector<8x8xf32>
    %reduce_sum3A_742 = arith.constant dense<0.000000e+00> : vector<8xf32>
    %reduce_sum3A_743 = vector.multi_reduction <add>, %select_n3A_741, %reduce_sum3A_742 [1] : vector<8x8xf32> to vector<8xf32>
    %broadcast_in_dim3A_744 = vector.shape_cast %reduce_sum3A_743 : vector<8xf32> to vector<8x1xf32>
    %or3A_745 = vector.broadcast %gt3A_429 : vector<1x8xi1> to vector<8x8xi1>
    %or3A_746 = arith.ori %eq3A, %or3A_745 : vector<8x8xi1>
    %jit3A_747 = arith.constant -1.000000e+30 : f32
    %broadcast_in_dim3A_748 = vector.broadcast %jit3A_747 : f32 to vector<8x8xf32>
    %select_n3A_749 = arith.select %or3A_746, %div3A_426, %broadcast_in_dim3A_748 : vector<8x8xi1>, vector<8x8xf32>
    %reduce_max3A_750 = arith.constant dense<0xFF800000> : vector<8xf32>
    %reduce_max3A_751 = vector.multi_reduction <maximumf>, %select_n3A_749, %reduce_max3A_750 [1] : vector<8x8xf32> to vector<8xf32>
    %broadcast_in_dim3A_752 = vector.shape_cast %reduce_max3A_751 : vector<8xf32> to vector<8x1xf32>
    %sub3A_753 = vector.broadcast %broadcast_in_dim3A_752 : vector<8x1xf32> to vector<8x8xf32>
    %sub3A_754 = arith.subf %select_n3A_749, %sub3A_753 : vector<8x8xf32>
    %exp3A_755 = math.exp %sub3A_754 : vector<8x8xf32>
    %reduce_sum3A_756 = arith.constant dense<0.000000e+00> : vector<8xf32>
    %reduce_sum3A_757 = vector.multi_reduction <add>, %exp3A_755, %reduce_sum3A_756 [1] : vector<8x8xf32> to vector<8xf32>
    %broadcast_in_dim3A_758 = vector.shape_cast %reduce_sum3A_757 : vector<8xf32> to vector<8x1xf32>
    %log3A_759 = math.log %broadcast_in_dim3A_758 : vector<8x1xf32>
    %add3A_760 = arith.addf %broadcast_in_dim3A_752, %log3A_759 : vector<8x1xf32>
    %not3A_761 = arith.constant dense<true> : vector<8x8xi1>
    %not3A_762 = arith.xori %eq3A, %not3A_761 : vector<8x8xi1>
    %and3A_763 = vector.broadcast %gt3A_429 : vector<1x8xi1> to vector<8x8xi1>
    %and3A_764 = arith.andi %not3A_762, %and3A_763 : vector<8x8xi1>
    %jit3A_765 = arith.constant 1.000000e+00 : f32
    %jit3A_766 = arith.constant 0.000000e+00 : f32
    %broadcast_in_dim3A_767 = vector.broadcast %jit3A_765 : f32 to vector<8x8xf32>
    %broadcast_in_dim3A_768 = vector.broadcast %jit3A_766 : f32 to vector<8x8xf32>
    %select_n3A_769 = arith.select %and3A_764, %broadcast_in_dim3A_767, %broadcast_in_dim3A_768 : vector<8x8xi1>, vector<8x8xf32>
    %reduce_sum3A_770 = arith.constant dense<0.000000e+00> : vector<8xf32>
    %reduce_sum3A_771 = vector.multi_reduction <add>, %select_n3A_769, %reduce_sum3A_770 [1] : vector<8x8xf32> to vector<8xf32>
    %broadcast_in_dim3A_772 = vector.shape_cast %reduce_sum3A_771 : vector<8xf32> to vector<8x1xf32>
    %gt3A_773 = arith.constant 0.000000e+00 : f32
    %gt3A_774 = vector.broadcast %gt3A_773 : f32 to vector<8x1xf32>
    %gt3A_775 = arith.cmpf ogt, %broadcast_in_dim3A_772, %gt3A_774 : vector<8x1xf32>
    %add3A_776 = arith.constant 0.313261688 : f32
    %add3A_777 = vector.broadcast %add3A_776 : f32 to vector<8x1xf32>
    %add3A_778 = arith.addf %broadcast_in_dim3A_744, %add3A_777 : vector<8x1xf32>
    %select_n3A_779 = arith.select %gt3A_775, %add3A_760, %add3A_778 : vector<8x1xi1>, vector<8x1xf32>
    %sub3A_780 = arith.subf %select_n3A_779, %broadcast_in_dim3A_744 : vector<8x1xf32>
    %get3A_781 = arith.constant 2 : index
    %get3A_782 = arith.constant 0 : index
    %get3A_783 = vector.load %arg4[%get3A_781, %get3A_782] : memref<4x8xf32, #tpu.memory_space<vmem>>, vector<1x8xf32>
    %transpose3A_784 = tpu.transpose %get3A_783, [1, 0] : vector<1x8xf32> -> vector<8x1xf32>
    %mul3A_785 = arith.constant 5.000000e-01 : f32
    %mul3A_786 = vector.broadcast %mul3A_785 : f32 to vector<8x1xf32>
    %mul3A_787 = arith.mulf %transpose3A_784, %mul3A_786 : vector<8x1xf32>
    %add3A_788 = arith.addf %sub3A_738, %sub3A_780 : vector<8x1xf32>
    %mul3A_789 = arith.mulf %mul3A_787, %add3A_788 : vector<8x1xf32>
    %reduce_sum3A_790 = vector.shape_cast %mul3A_789 : vector<8x1xf32> to vector<1x8x1xf32>
    %reduce_sum3A_791 = arith.constant dense<0.000000e+00> : vector<1xf32>
    %reduce_sum3A_792 = vector.multi_reduction <add>, %reduce_sum3A_790, %reduce_sum3A_791 [1, 2] : vector<1x8x1xf32> to vector<1xf32>
    %reduce_sum3A_793 = vector.shape_cast %reduce_sum3A_792 : vector<1xf32> to vector<1x1x1xf32>
    %reduce_sum3A_794 = vector.extract %reduce_sum3A_793[0, 0, 0] : f32 from vector<1x1x1xf32>
    %add3A_795 = arith.addf %add3A_690, %reduce_sum3A_794 : f32
    %reduce_sum3A_796 = vector.shape_cast %get3A_783 : vector<1x8xf32> to vector<1x1x8xf32>
    %reduce_sum3A_797 = arith.constant dense<0.000000e+00> : vector<1xf32>
    %reduce_sum3A_798 = vector.multi_reduction <add>, %reduce_sum3A_796, %reduce_sum3A_797 [1, 2] : vector<1x1x8xf32> to vector<1xf32>
    %reduce_sum3A_799 = vector.shape_cast %reduce_sum3A_798 : vector<1xf32> to vector<1x1x1xf32>
    %reduce_sum3A_800 = vector.extract %reduce_sum3A_799[0, 0, 0] : f32 from vector<1x1x1xf32>
    %add3A_801 = arith.addf %add3A_696, %reduce_sum3A_800 : f32
    %jit3A_802 = arith.constant 0.000000e+00 : f32
    %broadcast_in_dim3A_803 = vector.broadcast %jit3A_802 : f32 to vector<8x8xf32>
    %select_n3A_804 = arith.select %eq3A, %div3A_237, %broadcast_in_dim3A_803 : vector<8x8xi1>, vector<8x8xf32>
    %reduce_sum3A_805 = arith.constant dense<0.000000e+00> : vector<8xf32>
    %reduce_sum3A_806 = vector.multi_reduction <add>, %select_n3A_804, %reduce_sum3A_805 [1] : vector<8x8xf32> to vector<8xf32>
    %broadcast_in_dim3A_807 = vector.shape_cast %reduce_sum3A_806 : vector<8xf32> to vector<8x1xf32>
    %or3A_808 = vector.broadcast %gt3A_240 : vector<1x8xi1> to vector<8x8xi1>
    %or3A_809 = arith.ori %eq3A, %or3A_808 : vector<8x8xi1>
    %jit3A_810 = arith.constant -1.000000e+30 : f32
    %broadcast_in_dim3A_811 = vector.broadcast %jit3A_810 : f32 to vector<8x8xf32>
    %select_n3A_812 = arith.select %or3A_809, %div3A_237, %broadcast_in_dim3A_811 : vector<8x8xi1>, vector<8x8xf32>
    %reduce_max3A_813 = arith.constant dense<0xFF800000> : vector<8xf32>
    %reduce_max3A_814 = vector.multi_reduction <maximumf>, %select_n3A_812, %reduce_max3A_813 [1] : vector<8x8xf32> to vector<8xf32>
    %broadcast_in_dim3A_815 = vector.shape_cast %reduce_max3A_814 : vector<8xf32> to vector<8x1xf32>
    %sub3A_816 = vector.broadcast %broadcast_in_dim3A_815 : vector<8x1xf32> to vector<8x8xf32>
    %sub3A_817 = arith.subf %select_n3A_812, %sub3A_816 : vector<8x8xf32>
    %exp3A_818 = math.exp %sub3A_817 : vector<8x8xf32>
    %reduce_sum3A_819 = arith.constant dense<0.000000e+00> : vector<8xf32>
    %reduce_sum3A_820 = vector.multi_reduction <add>, %exp3A_818, %reduce_sum3A_819 [1] : vector<8x8xf32> to vector<8xf32>
    %broadcast_in_dim3A_821 = vector.shape_cast %reduce_sum3A_820 : vector<8xf32> to vector<8x1xf32>
    %log3A_822 = math.log %broadcast_in_dim3A_821 : vector<8x1xf32>
    %add3A_823 = arith.addf %broadcast_in_dim3A_815, %log3A_822 : vector<8x1xf32>
    %not3A_824 = arith.constant dense<true> : vector<8x8xi1>
    %not3A_825 = arith.xori %eq3A, %not3A_824 : vector<8x8xi1>
    %and3A_826 = vector.broadcast %gt3A_240 : vector<1x8xi1> to vector<8x8xi1>
    %and3A_827 = arith.andi %not3A_825, %and3A_826 : vector<8x8xi1>
    %jit3A_828 = arith.constant 1.000000e+00 : f32
    %jit3A_829 = arith.constant 0.000000e+00 : f32
    %broadcast_in_dim3A_830 = vector.broadcast %jit3A_828 : f32 to vector<8x8xf32>
    %broadcast_in_dim3A_831 = vector.broadcast %jit3A_829 : f32 to vector<8x8xf32>
    %select_n3A_832 = arith.select %and3A_827, %broadcast_in_dim3A_830, %broadcast_in_dim3A_831 : vector<8x8xi1>, vector<8x8xf32>
    %reduce_sum3A_833 = arith.constant dense<0.000000e+00> : vector<8xf32>
    %reduce_sum3A_834 = vector.multi_reduction <add>, %select_n3A_832, %reduce_sum3A_833 [1] : vector<8x8xf32> to vector<8xf32>
    %broadcast_in_dim3A_835 = vector.shape_cast %reduce_sum3A_834 : vector<8xf32> to vector<8x1xf32>
    %gt3A_836 = arith.constant 0.000000e+00 : f32
    %gt3A_837 = vector.broadcast %gt3A_836 : f32 to vector<8x1xf32>
    %gt3A_838 = arith.cmpf ogt, %broadcast_in_dim3A_835, %gt3A_837 : vector<8x1xf32>
    %add3A_839 = arith.constant 0.313261688 : f32
    %add3A_840 = vector.broadcast %add3A_839 : f32 to vector<8x1xf32>
    %add3A_841 = arith.addf %broadcast_in_dim3A_807, %add3A_840 : vector<8x1xf32>
    %select_n3A_842 = arith.select %gt3A_838, %add3A_823, %add3A_841 : vector<8x1xi1>, vector<8x1xf32>
    %sub3A_843 = arith.subf %select_n3A_842, %broadcast_in_dim3A_807 : vector<8x1xf32>
    %jit3A_844 = arith.constant 0.000000e+00 : f32
    %broadcast_in_dim3A_845 = vector.broadcast %jit3A_844 : f32 to vector<8x8xf32>
    %select_n3A_846 = arith.select %eq3A, %div3A_489, %broadcast_in_dim3A_845 : vector<8x8xi1>, vector<8x8xf32>
    %reduce_sum3A_847 = arith.constant dense<0.000000e+00> : vector<8xf32>
    %reduce_sum3A_848 = vector.multi_reduction <add>, %select_n3A_846, %reduce_sum3A_847 [1] : vector<8x8xf32> to vector<8xf32>
    %broadcast_in_dim3A_849 = vector.shape_cast %reduce_sum3A_848 : vector<8xf32> to vector<8x1xf32>
    %or3A_850 = vector.broadcast %gt3A_492 : vector<1x8xi1> to vector<8x8xi1>
    %or3A_851 = arith.ori %eq3A, %or3A_850 : vector<8x8xi1>
    %jit3A_852 = arith.constant -1.000000e+30 : f32
    %broadcast_in_dim3A_853 = vector.broadcast %jit3A_852 : f32 to vector<8x8xf32>
    %select_n3A_854 = arith.select %or3A_851, %div3A_489, %broadcast_in_dim3A_853 : vector<8x8xi1>, vector<8x8xf32>
    %reduce_max3A_855 = arith.constant dense<0xFF800000> : vector<8xf32>
    %reduce_max3A_856 = vector.multi_reduction <maximumf>, %select_n3A_854, %reduce_max3A_855 [1] : vector<8x8xf32> to vector<8xf32>
    %broadcast_in_dim3A_857 = vector.shape_cast %reduce_max3A_856 : vector<8xf32> to vector<8x1xf32>
    %sub3A_858 = vector.broadcast %broadcast_in_dim3A_857 : vector<8x1xf32> to vector<8x8xf32>
    %sub3A_859 = arith.subf %select_n3A_854, %sub3A_858 : vector<8x8xf32>
    %exp3A_860 = math.exp %sub3A_859 : vector<8x8xf32>
    %reduce_sum3A_861 = arith.constant dense<0.000000e+00> : vector<8xf32>
    %reduce_sum3A_862 = vector.multi_reduction <add>, %exp3A_860, %reduce_sum3A_861 [1] : vector<8x8xf32> to vector<8xf32>
    %broadcast_in_dim3A_863 = vector.shape_cast %reduce_sum3A_862 : vector<8xf32> to vector<8x1xf32>
    %log3A_864 = math.log %broadcast_in_dim3A_863 : vector<8x1xf32>
    %add3A_865 = arith.addf %broadcast_in_dim3A_857, %log3A_864 : vector<8x1xf32>
    %not3A_866 = arith.constant dense<true> : vector<8x8xi1>
    %not3A_867 = arith.xori %eq3A, %not3A_866 : vector<8x8xi1>
    %and3A_868 = vector.broadcast %gt3A_492 : vector<1x8xi1> to vector<8x8xi1>
    %and3A_869 = arith.andi %not3A_867, %and3A_868 : vector<8x8xi1>
    %jit3A_870 = arith.constant 1.000000e+00 : f32
    %jit3A_871 = arith.constant 0.000000e+00 : f32
    %broadcast_in_dim3A_872 = vector.broadcast %jit3A_870 : f32 to vector<8x8xf32>
    %broadcast_in_dim3A_873 = vector.broadcast %jit3A_871 : f32 to vector<8x8xf32>
    %select_n3A_874 = arith.select %and3A_869, %broadcast_in_dim3A_872, %broadcast_in_dim3A_873 : vector<8x8xi1>, vector<8x8xf32>
    %reduce_sum3A_875 = arith.constant dense<0.000000e+00> : vector<8xf32>
    %reduce_sum3A_876 = vector.multi_reduction <add>, %select_n3A_874, %reduce_sum3A_875 [1] : vector<8x8xf32> to vector<8xf32>
    %broadcast_in_dim3A_877 = vector.shape_cast %reduce_sum3A_876 : vector<8xf32> to vector<8x1xf32>
    %gt3A_878 = arith.constant 0.000000e+00 : f32
    %gt3A_879 = vector.broadcast %gt3A_878 : f32 to vector<8x1xf32>
    %gt3A_880 = arith.cmpf ogt, %broadcast_in_dim3A_877, %gt3A_879 : vector<8x1xf32>
    %add3A_881 = arith.constant 0.313261688 : f32
    %add3A_882 = vector.broadcast %add3A_881 : f32 to vector<8x1xf32>
    %add3A_883 = arith.addf %broadcast_in_dim3A_849, %add3A_882 : vector<8x1xf32>
    %select_n3A_884 = arith.select %gt3A_880, %add3A_865, %add3A_883 : vector<8x1xi1>, vector<8x1xf32>
    %sub3A_885 = arith.subf %select_n3A_884, %broadcast_in_dim3A_849 : vector<8x1xf32>
    %get3A_886 = arith.constant 3 : index
    %get3A_887 = arith.constant 0 : index
    %get3A_888 = vector.load %arg4[%get3A_886, %get3A_887] : memref<4x8xf32, #tpu.memory_space<vmem>>, vector<1x8xf32>
    %transpose3A_889 = tpu.transpose %get3A_888, [1, 0] : vector<1x8xf32> -> vector<8x1xf32>
    %mul3A_890 = arith.constant 5.000000e-01 : f32
    %mul3A_891 = vector.broadcast %mul3A_890 : f32 to vector<8x1xf32>
    %mul3A_892 = arith.mulf %transpose3A_889, %mul3A_891 : vector<8x1xf32>
    %add3A_893 = arith.addf %sub3A_843, %sub3A_885 : vector<8x1xf32>
    %mul3A_894 = arith.mulf %mul3A_892, %add3A_893 : vector<8x1xf32>
    %reduce_sum3A_895 = vector.shape_cast %mul3A_894 : vector<8x1xf32> to vector<1x8x1xf32>
    %reduce_sum3A_896 = arith.constant dense<0.000000e+00> : vector<1xf32>
    %reduce_sum3A_897 = vector.multi_reduction <add>, %reduce_sum3A_895, %reduce_sum3A_896 [1, 2] : vector<1x8x1xf32> to vector<1xf32>
    %reduce_sum3A_898 = vector.shape_cast %reduce_sum3A_897 : vector<1xf32> to vector<1x1x1xf32>
    %reduce_sum3A_899 = vector.extract %reduce_sum3A_898[0, 0, 0] : f32 from vector<1x1x1xf32>
    %add3A_900 = arith.addf %add3A_795, %reduce_sum3A_899 : f32
    %reduce_sum3A_901 = vector.shape_cast %get3A_888 : vector<1x8xf32> to vector<1x1x8xf32>
    %reduce_sum3A_902 = arith.constant dense<0.000000e+00> : vector<1xf32>
    %reduce_sum3A_903 = vector.multi_reduction <add>, %reduce_sum3A_901, %reduce_sum3A_902 [1, 2] : vector<1x1x8xf32> to vector<1xf32>
    %reduce_sum3A_904 = vector.shape_cast %reduce_sum3A_903 : vector<1xf32> to vector<1x1x1xf32>
    %reduce_sum3A_905 = vector.extract %reduce_sum3A_904[0, 0, 0] : f32 from vector<1x1x1xf32>
    %add3A_906 = arith.addf %add3A_801, %reduce_sum3A_905 : f32
    %gt3A_907 = arith.constant 0.000000e+00 : f32
    %gt3A_908 = arith.cmpf ogt, %add3A_906, %gt3A_907 : f32
    %max3A_909 = arith.constant 1.000000e+00 : f32
    %max3A_910 = arith.maximumf %add3A_906, %max3A_909 : f32
    %div3A_911 = arith.divf %add3A_900, %max3A_910 : f32
    %jit3A_912 = arith.constant 0.000000e+00 : f32
    %select_n3A_913 = arith.select %gt3A_908, %div3A_911, %jit3A_912 : f32
    %broadcast_in_dim3A_914 = vector.broadcast %select_n3A_913 : f32 to vector<8x128xf32>
    %swap3A = arith.constant 0 : index
    %swap3A_915 = arith.constant 0 : index
    %swap3A_916 = vector.load %arg5[%swap3A, %swap3A_915] : memref<8x128xf32, #tpu.memory_space<vmem>>, vector<8x128xf32>
    tpu.vector_store %arg5[%swap3A, %swap3A_915], %broadcast_in_dim3A_914 {strides = array<i32>} : memref<8x128xf32, #tpu.memory_space<vmem>>, vector<8x128xf32>,
    return
  }
}

</mosaic_0001>

<sc_bundles>
// kernel: kernel.6.cloned.1.call-start
scs
__scs_entry_jumppad:
0x0: {  	(pc) =	sbr.rel $0x88, $3  }
0x1: {  	(tag) =	ssettag $0x0;
	lr =	simm.s32 $0x1  }
0x2: {  	[smem:$0x3F9F] =	sst lr;
	_ =	strace $0xD0000000  }
0x3: {  	_ = 	snop  }
0x4: {  	_ = 	snop  }
0x5: {  	_ = 	snop  }
0x6: {  	_ = 	snop  }
0x7: {  	_ = 	snop  }
__scs_overlays_trampoline_lowered:
0x8: {  	[smem:$0x3FAE] =	sst s0  }
0x9: {  	[smem:$0x3FAF] =	sst s1  }
0xa: {  	[smem:$0x3FB0] =	sst s2  }
0xb: {  	[smem:$0x3FB1] =	sst s3  }
0xc: {  	[smem:$0x3FB2] =	sst s4  }
0xd: {  	[smem:$0x3FB3] =	sst s5  }
0xe: {  	[smem:$0x3FB4] =	sst s6  }
0xf: {  	[smem:$0x3FB5] =	sst s7  }
0x10: {  	[smem:$0x3FB6] =	sst s8  }
0x11: {  	[smem:$0x3FB7] =	sst s9;
	s0 =	simm.s32 @!p0 $0x0  }
0x12: {  	s1 =	sld [smem:$0x3F9D];
	s0 =	simm.s32 @p0 $0x1  }
0x13: {  	[smem:$0x3FB8] =	sst s0;
	s0 =	simm.s32 @!p1 $0x0  }
0x14: {  	s2 =	sld [smem:$0x3F9C];
	s0 =	simm.s32 @p1 $0x1  }
0x15: {  	[smem:$0x3FB9] =	sst s0;
	s0 =	simm.s32 @!p2 $0x0  }
0x16: {  	s3 =	sld [smem:$0x3FDB];
	s0 =	simm.s32 @p2 $0x1  }
0x17: {  	s4 =	simm.s32 $0x1BF5;
	[smem:$0x3FBB] =	sst s0  }
0x18: {  	s0 =	sld [smem:$0x3F9E];
	_ =	swait.ge [sflag:s4], $0x0  }
0x19: {  	s7 =	sld [smem:$0x3F9F]  }
0x1a: {  	s8 =	sadd.s32 $0xFFFFE003, lr  }
0x1b: {  	s9 =	sadd.s32 $0xFFFFFEF7, lr;
	s5 =	simm.s32 $0xFFFFFFFF;
	p2 =	slt.u32 s8, $0xFFFFF086  }
0x1c: {  	p1 =	slt.u32 s9, $0xF7A;
	s5 =	simm.s32 @!p2 $0x0  }
0x1d: {  	s5 =	simm.s32 @p1 $0x1;
	p0 =	seq.s32 s7, s2  }
0x1e: {  	s7 =	smul.u32 @!p0 $0xF7A, s2;
	p2 =	seq.s32 @!p0 s5, $0x0  }
0x1f: {  	s9 =	smul.u32 $0xF7A, s1;
	s8 =	simm.s32 @!p0 $0x1BF5;
	p2 =	por !p2, p0  }
0x20: {  	[sflag:s8] =	ssyncset.s32 @!p0 $0xFFFFF086;
	s6 =	sadd.s32 @!p0 s3, s7;
	s7 =	simm.s32 @!p0 $0x108  }
0x21: {  	s3 =	sadd.s32 s3, s9;
	s6 =	sadd.s32 @!p0 $0x88, s6;
	s7 =	simm.s32 @p2 $0x1082  }
0x22: {  	[simem:s7], [sflag:s8] =	dma.local @!p0 [hbm:s6], $0xF7A  }
0x23: {  	s9 =	sor.u32 $0xD0000000, s2;
	s6 =	simm.s32 $0x108;
	_ =	swait.ge @!p0 [sflag:s8], $0x0  }
0x24: {  	s3 =	sadd.s32 $0x88, s3;
	s6 =	simm.s32 @!p1 $0x1082;
	[sflag:s4] =	ssyncset.s32 $0xFFFFF086  }
0x25: {  	[simem:s6], [sflag:s4] =	dma.local [hbm:s3], $0xF7A  }
0x26: {  	[smem:$0x3F9F] =	sst s1;
	(tag) =	ssettag s2;
	_ =	strace s9  }
0x27: {  	s1 =	sld [smem:$0x3FAF]  }
0x28: {  	s2 =	sld [smem:$0x3FB0]  }
0x29: {  	s4 =	sld [smem:$0x3FB2]  }
0x2a: {  	p0 =	seq.s32 s5, $0x0;
	s5 =	sld [smem:$0x3FB3]  }
0x2b: {  	s6 =	sld [smem:$0x3FB4]  }
0x2c: {  	s7 =	sld [smem:$0x3FB5]  }
0x2d: {  	s3 =	simm.s32 $0x108;
	s8 =	sld [smem:$0x3FB6]  }
0x2e: {  	s3 =	simm.s32 @!p0 $0x1082;
	s9 =	sld [smem:$0x3FB7]  }
0x2f: {  	lr =	sadd.s32 s0, s3;
	s0 =	sld [smem:$0x3FAE]  }
0x30: {  	s3 =	sld [smem:$0x3FB1]  }
0x31: {  	[smem:$0x3FBA] =	sst s10  }
0x32: {  	s10 =	sld [smem:$0x3FB8];
	_ =	sdelay $0x3  }
0x33: {  	p0 =	seq.s32 s10, $0x1;
	s10 =	sld [smem:$0x3FBA];
	_ =	sdelay $0x3  }
0x34: {  	[smem:$0x3FBA] =	sst s10  }
0x35: {  	s10 =	sld [smem:$0x3FB9];
	_ =	sdelay $0x3  }
0x36: {  	p1 =	seq.s32 s10, $0x1;
	s10 =	sld [smem:$0x3FBA];
	_ =	sdelay $0x3  }
0x37: {  	[smem:$0x3FBA] =	sst s10  }
0x38: {  	s10 =	sld [smem:$0x3FBB]  }
0x39: {  	_ = 	snop;
	(pc) =	sbr.ind lr, $3  }
0x3a: {  	_ = 	snop  }
0x3b: {  	_ = 	snop  }
0x3c: {  	p2 =	seq.s32 s10, $0x1;
	s10 =	sld [smem:$0x3FBA]  }
0x3d: {  	_ =	shalt  }
0x3e: {  	_ =	shalt  }
0x3f: {  	_ =	shalt  }
0x40: {  	_ =	shalt  }
0x41: {  	_ =	shalt  }
0x42: {  	_ =	shalt  }
0x43: {  	_ =	shalt  }
0x44: {  	_ =	shalt  }
0x45: {  	_ =	shalt  }
0x46: {  	_ =	shalt  }
0x47: {  	_ =	shalt  }
0x48: {  	_ =	shalt  }
0x49: {  	_ =	shalt  }
0x4a: {  	_ =	shalt  }
0x4b: {  	_ =	shalt  }
0x4c: {  	_ =	shalt  }
0x4d: {  	_ =	shalt  }
0x4e: {  	_ =	shalt  }
0x4f: {  	_ =	shalt  }
0x50: {  	_ =	shalt  }
0x51: {  	_ =	shalt  }
0x52: {  	_ =	shalt  }
0x53: {  	_ =	shalt  }
0x54: {  	_ =	shalt  }
0x55: {  	_ =	shalt  }
0x56: {  	_ =	shalt  }
0x57: {  	_ =	shalt  }
0x58: {  	_ =	shalt  }
0x59: {  	_ =	shalt  }
0x5a: {  	_ =	shalt  }
0x5b: {  	_ =	shalt  }
0x5c: {  	_ =	shalt  }
0x5d: {  	_ =	shalt  }
0x5e: {  	_ =	shalt  }
0x5f: {  	_ =	shalt  }
0x60: {  	_ =	shalt  }
0x61: {  	_ =	shalt  }
0x62: {  	_ =	shalt  }
0x63: {  	_ =	shalt  }
0x64: {  	_ =	shalt  }
0x65: {  	_ =	shalt  }
0x66: {  	_ =	shalt  }
0x67: {  	_ =	shalt  }
0x68: {  	_ =	shalt  }
0x69: {  	_ =	shalt  }
0x6a: {  	_ =	shalt  }
0x6b: {  	_ =	shalt  }
0x6c: {  	_ =	shalt  }
0x6d: {  	_ =	shalt  }
0x6e: {  	_ =	shalt  }
0x6f: {  	_ =	shalt  }
0x70: {  	_ =	shalt  }
0x71: {  	_ =	shalt  }
0x72: {  	_ =	shalt  }
0x73: {  	_ =	shalt  }
0x74: {  	_ =	shalt  }
0x75: {  	_ =	shalt  }
0x76: {  	_ =	shalt  }
0x77: {  	_ =	shalt  }
0x78: {  	_ =	shalt  }
0x79: {  	_ =	shalt  }
0x7a: {  	_ =	shalt  }
0x7b: {  	_ =	shalt  }
0x7c: {  	_ =	shalt  }
0x7d: {  	_ =	shalt  }
0x7e: {  	_ =	shalt  }
0x7f: {  	_ =	shalt  }
0x80: {  	_ =	shalt  }
0x81: {  	_ =	shalt  }
0x82: {  	_ =	shalt  }
0x83: {  	_ =	shalt  }
0x84: {  	_ =	shalt  }
0x85: {  	_ =	shalt  }
0x86: {  	_ =	shalt  }
0x87: {  	_ =	shalt  }
.Lfunc_end0:
.L_simem_size_0:
called_computation_lowered:
.L_overlay_start_0:
0x88: {  	s2 =	sld [smem:$0x3FD9]  }
0x89: {  	s3 =	sld [smem:$0x3FFE];
	_ =	sdelay $0x1  }
0x8a: {  	s1 =	srdreg.scid  }
0x8b: {  	s0 =	sand.u32 $0x1, s1  }
0x8c: {  	s16 =	sshll.u32 s0, $0xA;
	s2 =	sadd.s32 s3, s2  }
0x8d: {  	s2 =	sadd.s32 s2, s16  }
0x8e: {  	[smem:$0x3FC6] =	sst s2  }
0x8f: {  	_ = 	snop  }
0x90: {  	(tm) =	ssettm $0x1  }
0x91: {  	s17 =	sld [smem:$0x3FFB];
	_ =	sdelay $0x3  }
0x92: {  	_ =	strace s17  }
0x93: {  	s2 =	sld [smem:$0x3FFC];
	_ =	sdelay $0x3  }
0x94: {  	_ =	strace s2  }
0x95: {  	s2 =	sld [smem:$0x3FFD];
	_ =	sdelay $0x3  }
0x96: {  	_ =	strace s2  }
0x97: {  	_ =	strace $0x8FFFFFFF  }
0x98: {  	s18 =	sld [smem:$0x3FDB];
	_ =	sdelay $0x1  }
0x99: {  	s19 =	simm.s32 $_scs_section_size  }
0x9a: {  	s4 =	simm.s32 $_size__tile_overlayer_lowered;
	s5 =	simm.s32 $_tile_overlayer_lowered  }
0x9b: {  	s22 =	simm.s32 $0x1BFF;
	s21 =	sshll.u32 s5, $0x1;
	s2 =	sadd.s32 s19, s18  }
0x9c: {  	s6 =	simm.s32 $0x0;
	s20 =	sshll.u32 s4, $0x1;
	s4 =	sadd.s32 s21, s2  }
0x9d: {  	[timem:s6], [sflag:s22] =	dma.local [hbm:s4], s20  }
0x9e: {  	_ =	swait.ge [sflag:s22], s20  }
0x9f: {  	s3 =	ssub.s32 $0x0, s20;
	[sflag:s22] =	ssyncset.done $0x0  }
0xa0: {  	[sflag:s22] =	ssyncadd.s32 s3;
	_ =	sdelay $0x1  }
0xa1: {  	s23 =	simm.s32 $0x1B8B  }
0xa2: {  	_ =	swait.ge [sflag:s23], $0x1  }
0xa3: {  	[sflag:s23] =	ssyncset.done $0x0  }
0xa4: {  	s25 =	simm.s32 $0x1B8E;
	s24 =	sld [smem:$0x3FFE];
	[sflag:s23] =	ssyncadd.s32 $0xFFFFFFFF  }
0xa5: {  	s26 =	simm.s32 $execute0_lowered;
	[smem:$0x3FD2] =	sst s25  }
0xa6: {  	s4 =	sshll.u32 s26, $0x1;
	_ =	strace $0x80000046;
	[dreg:$0x1] =	wrdreg $0xFFFFFFFF  }
0xa7: {  	s28 =	simm.s32 $_size_execute0_lowered;
	s2 =	sadd.s32 s2, s4;
	[dreg:$0x0] =	wrdreg $0x0  }
0xa8: {  	s4 =	sshll.u32 s28, $0x1;
	[dreg:$0x2] =	wrdreg s2  }
0xa9: {  	[dreg:$0x3] =	wrdreg s4  }
0xaa: {  	[dreg:$0x4] =	wrdreg $0xC0  }
0xab: {  	_ =	task [dreg:s6], $0x5FFFF  }
0xac: {  	[dreg:$0x1] =	wrdreg $0xFFFFFFFF  }
0xad: {  	[dreg:$0x0] =	wrdreg $0x60  }
0xae: {  	[dreg:$0x2] =	wrdreg s24  }
0xaf: {  	[dreg:$0x3] =	wrdreg $0x9  }
0xb0: {  	_ =	task.clear_ibuf [dreg:s6], $0x4FFFF;
	_ =	strace $0x90000046  }
0xb1: {  	s29 =	simm.s32 $0x9;
	_ =	strace $0x80000048  }
0xb2: {  	_ =	swait.ge [sflag:s29], $0x1  }
0xb3: {  	[sflag:s29] =	ssyncadd.s32 $0xFFFFFFFF  }
0xb4: {  	_ =	strace $0x90000048  }
0xb5: {  	_ =	sfence  }
0xb6: {  	s30 =	sld [smem:$0x0];
	_ =	sdelay $0x2  }
0xb7: {  	s31 =	sshll.u32 s1, $0xD;
	s1 =	sshrl.u32 s1, $0x2  }
0xb8: {  	s3 =	sand.u32 $0x4000, s31;
	s1 =	sadd.s32 s1, s30  }
0xb9: {  	s0 =	sor.u32 s3, s0;
	s1 =	sshll.u32 s1, $0x11  }
0xba: {  	s0 =	sor.u32 s1, s0  }
0xbb: {  	s0 =	sadd.s32 $0x8F2B, s0  }
0xbc: {  	[sflag:s0] =	ssyncadd.remote.s32 $0x1  }
0xbd: {  	_ =	sfence.sel $0xFFFF  }
0xbe: {  	[dreg:$0x0] =	wrdreg $0xFFFFFFFF;
	(pc) =	sbr.abs _section_cstart, $3  }
0xbf: {  	[dreg:$0x1] =	wrdreg $0xFFFFFFFF  }
0xc0: {  	_ =	task.clear_ibuf [dreg:s6], $0x2FFFF;
	_ =	strace $0x9FFFFFFF  }
0xc1: {  	(tm) =	ssettm $0x7FFFFFFF  }
tec
execute0_lowered:
.L_overlay_start_1:
0x0: {  	(tag) =	ssettag $0x1  }
0x1: {  	s1 =	srdreg.scid;
	s0 =	stileid.u32  }
0x2: {  	s11 =	sand.u32 $0x1, s1;
	s28 =	sshll.u32 s0, $0x1  }
0x3: {  	s9 =	rddreg [dreg:$0x0];
	s10 =	sor.u32 s11, s28  }
0x4: {  	s2 =	simm.s32 $0x0;
	s1 =	rddreg [dreg:$0x1];
	s3 =	smul.u32 $0x18, s10  }
0x5: {  	[smem:$0x7FF] =	sst s2;
	s12 =	sadd.s32 $0x74000, s9  }
0x6: {  	_ =	strace $0x80000047;
	s4 =	sadd.s32 s12, s3;
	s3 =	simm.s32 $0x2  }
0x7: {  	[tilespmem:s2], [sflag:$0x2] =	stream.linear.gather [hbm4b:s4+s2], $0x60, $0x38;
	[tilespmem:$0x3080] =	vst v63  }
0x8: {  	_ =	swait.ge [sflag:s3], $0x60  }
0x9: {  	s6 =	simm.s32 $0x60;
	s7 =	simm.s32 $0x80;
	[sflag:s3] =	ssyncset.done $0x0  }
0xa: {  	s8 =	simm.s32 $0x1;
	s5 =	sadd.s32 $0x78C00, s9;
	[sflag:s3] =	ssyncadd.s32 $0xFFFFFFA0  }
0xb: {  	[tilespmem:s7], [sflag:$0x1] =	stream.indirect.gather [hbm4b:s5+s6], $0x80, s2, s6, $0xb8;
	[tilespmem:$0x3080] =	vst v63  }
0xc: {  	s13 =	smul.u32 $0xC00, s10;
	_ =	swait.ge [sflag:s8], $0x3000  }
0xd: {  	s14 =	sadd.s32 $0x510C00, s9;
	[sflag:s8] =	ssyncset.done $0x0  }
0xe: {  	s10 =	smul.u32 $0xC0, s10;
	s9 =	sadd.s32 s14, s13;
	[sflag:s8] =	ssyncadd.s32 $0xFFFFD000  }
0xf: {  	[hbm4b:s9+s2] =	stream.linear.scatter [tilespmem:s7], [sflag:$0x2], $0x3000, $0x38;
	[tilespmem:$0x3080] =	vst v63  }
0x10: {  	s29 =	sadd.s32 $0x60, s10;
	_ =	swait.ge [sflag:s3], $0x3000  }
0x11: {  	s10 =	sshrl.u32 s29, $0x3;
	[sflag:s3] =	ssyncset.done $0x0  }
0x12: {  	s11 =	ssub.s32 $0x2, s11;
	s10 =	sadd.s32 s12, s10;
	[sflag:s3] =	ssyncadd.s32 $0xFFFFD000  }
0x13: {  	[tilespmem:s2], [sflag:$0x2] =	stream.linear.gather [hbm4b:s10+s2], $0x60, $0x38;
	[tilespmem:$0x3080] =	vst v63  }
0x14: {  	s30 =	sshrl.u32 s11, $0x1;
	_ =	swait.ge [sflag:s3], $0x60  }
0x15: {  	s12 =	ssub.s32 s11, s30;
	[sflag:s3] =	ssyncset.done $0x0  }
0x16: {  	s12 =	smax.u32 s12, $0x1;
	[sflag:s3] =	ssyncadd.s32 $0xFFFFFFA0  }
0x17: {  	[tilespmem:s7], [sflag:$0x1] =	stream.indirect.gather [hbm4b:s5+s6], $0x80, s2, s6, $0xb8;
	[tilespmem:$0x3080] =	vst v63  }
0x18: {  	p0 =	sne.s32 s12, $0x1;
	_ =	swait.ge [sflag:s8], $0x3000  }
.Ltmp0:
0x19: {  	s31 =	sshll.u32 s29, $0x4;
	[sflag:s8] =	ssyncset.done $0x0;
	(pc) =	sbr.rel @!p0 .LBB2_2-.Ltmp0, $4  }
0x1a: {  	s11 =	sadd.s32 s14, s31;
	[sflag:s8] =	ssyncadd.s32 $0xFFFFD000  }
0x1b: {  	[hbm4b:s11+s2] =	stream.linear.scatter [tilespmem:s7], [sflag:$0x2], $0x3000, $0x38;
	[tilespmem:$0x3080] =	vst v63  }
0x1c: {  	_ =	swait.ge [sflag:s3], $0x3000  }
0x1d: {  	s12 =	sadd.s32 $0xFFFFFFFF, s12;
	[sflag:s3] =	ssyncset.done $0x0  }
.LBB2_1:
0x1e: {  	p0 =	sne.s32 s12, $0x1;
	s12 =	sadd.s32 $0xFFFFFFFF, s12;
	[sflag:s3] =	ssyncadd.s32 $0xFFFFD000  }
0x1f: {  	[tilespmem:s2], [sflag:$0x2] =	stream.linear.gather [hbm4b:s4+s2], $0x60, $0x38;
	[tilespmem:$0x3080] =	vst v63  }
0x20: {  	_ =	swait.ge [sflag:s3], $0x60  }
0x21: {  	[sflag:s3] =	ssyncset.done $0x0  }
0x22: {  	[sflag:s3] =	ssyncadd.s32 $0xFFFFFFA0  }
0x23: {  	[tilespmem:s7], [sflag:$0x1] =	stream.indirect.gather [hbm4b:s5+s6], $0x80, s2, s6, $0xb8;
	[tilespmem:$0x3080] =	vst v63  }
0x24: {  	_ =	swait.ge [sflag:s8], $0x3000  }
0x25: {  	[sflag:s8] =	ssyncset.done $0x0  }
0x26: {  	[sflag:s8] =	ssyncadd.s32 $0xFFFFD000  }
0x27: {  	[hbm4b:s9+s2] =	stream.linear.scatter [tilespmem:s7], [sflag:$0x2], $0x3000, $0x38;
	[tilespmem:$0x3080] =	vst v63  }
0x28: {  	_ =	swait.ge [sflag:s3], $0x3000  }
0x29: {  	[sflag:s3] =	ssyncset.done $0x0  }
0x2a: {  	[sflag:s3] =	ssyncadd.s32 $0xFFFFD000  }
0x2b: {  	[tilespmem:s2], [sflag:$0x2] =	stream.linear.gather [hbm4b:s10+s2], $0x60, $0x38;
	[tilespmem:$0x3080] =	vst v63  }
0x2c: {  	_ =	swait.ge [sflag:s3], $0x60  }
0x2d: {  	[sflag:s3] =	ssyncset.done $0x0  }
0x2e: {  	[sflag:s3] =	ssyncadd.s32 $0xFFFFFFA0  }
0x2f: {  	[tilespmem:s7], [sflag:$0x1] =	stream.indirect.gather [hbm4b:s5+s6], $0x80, s2, s6, $0xb8;
	[tilespmem:$0x3080] =	vst v63  }
0x30: {  	_ =	swait.ge [sflag:s8], $0x3000  }
.Ltmp1:
0x31: {  	[sflag:s8] =	ssyncset.done $0x0;
	(pc) =	sbr.rel @p0 .LBB2_1-.Ltmp1, $4  }
0x32: {  	[sflag:s8] =	ssyncadd.s32 $0xFFFFD000  }
0x33: {  	[hbm4b:s11+s2] =	stream.linear.scatter [tilespmem:s7], [sflag:$0x2], $0x3000, $0x38;
	[tilespmem:$0x3080] =	vst v63  }
0x34: {  	_ =	swait.ge [sflag:s3], $0x3000  }
0x35: {  	[sflag:s3] =	ssyncset.done $0x0  }
.LBB2_2:
0x36: {  	[sflag:s3] =	ssyncadd.s32 $0xFFFFD000  }
0x37: {  	_ =	sfence.sel $0x180000  }
0x38: {  	[bflag:$0x0] =	sbarrier.arrive $0xFFFF  }
0x39: {  	p0 =	sne.s32 s0, $0x0;
	_ =	strace $0x90000047  }
0x3a: {  	s0 =	sadd.s32 @!p0 $0x100000, s1;
	[bflag:$0x2] =	sbarrier.arrive $0xFFFF  }
0x3b: {  	[sflag:s0] =	ssyncadd.tile.s32 @!p0 $0x1;
	_ =	shalt  }
.Lfunc_end2:
_tile_overlayer_lowered:
.L_overlay_start_2:
0x3c: {  	(tag) =	ssettag $0x2  }
0x3d: {  	s0 =	rddreg [dreg:$0x0];
	s2 =	stileid.u32  }
0x3e: {  	s1 =	rddreg [dreg:$0x1];
	p0 =	sne.s32 s2, $0x0  }
0x3f: {  	s3 =	rddreg [dreg:$0x2];
	[bflag:$0x3] =	sbarrier.arrive $0xFFFF;
	s2 =	simm.s32 @!p0 $0x1C02  }
0x40: {  	[timem:s3], [sflag:s2] =	dma.local @!p0 [hbm:s0], s1  }
0x41: {  	s0 =	simm.s32 @!p0 $0x2  }
0x42: {  	_ =	swait.ge @!p0 [sflag:s0], s1  }
0x43: {  	s1 =	ssub.s32 @!p0 $0x0, s1;
	[sflag:s0] =	ssyncset.done @!p0 $0x0  }
0x44: {  	[sflag:s0] =	ssyncadd.s32 @!p0 s1  }
0x45: {  	[bflag:$0x3] =	sbarrier.arrive $0xFFFF  }
0x46: {  	_ =	shalt  }

</sc_bundles>
